<compile_context>
chip_gen: v7x
topology: tpu7x:2x2x1
jax: 0.10.2.dev20260603
libtpu: 0.0.44.dev20260713+nightly
codegen_flags: <defaults>
</compile_context>

<pallas_src>
import functools
import jax
import jax.numpy as jnp
from jax import lax
from jax.experimental import pallas as pl
from jax.experimental.pallas import tpu as pltpu, tpu_sc as plsc

DIM = 768
B_TOT = 1024 * 200
NC = 2
NS = 16
NW = NC * NS
B_PER_W = B_TOT // NW
CHUNK = 40
NBUF = 4
N_CHUNK = B_PER_W // CHUNK
N_GROUP = N_CHUNK // NBUF

_mesh = plsc.VectorSubcoreMesh(core_axis_name="c", subcore_axis_name="s")


@functools.partial(
    pl.kernel,
    mesh=_mesh,
    out_type=jax.ShapeDtypeStruct((B_TOT, DIM), jnp.float32),
    scratch_types=[
        pltpu.VMEM((B_PER_W,), jnp.int32),
    ] + [pltpu.VMEM((CHUNK, DIM), jnp.float32)] * NBUF
      + [pltpu.SemaphoreType.DMA] * (2 * NBUF),
)
def _gather_kernel(ids_hbm, table_hbm, out_hbm, idx_v, *scratch):
    bufs = scratch[:NBUF]
    sgs = scratch[NBUF:2 * NBUF]
    sss = scratch[2 * NBUF:]
    wid = lax.axis_index("s") * NC + lax.axis_index("c")
    base = wid * B_PER_W
    pltpu.sync_copy(ids_hbm.at[pl.ds(base, B_PER_W)], idx_v)

    def g_start(c, b):
        pltpu.async_copy(
            table_hbm.at[idx_v.at[pl.ds(c * CHUNK, CHUNK)]], bufs[b], sgs[b])

    def g_wait(b):
        pltpu.make_async_copy(
            table_hbm.at[idx_v.at[pl.ds(0, CHUNK)]], bufs[b], sgs[b]).wait()

    def s_start(c, b):
        pltpu.async_copy(
            bufs[b], out_hbm.at[pl.ds(base + c * CHUNK, CHUNK)], sss[b])

    def s_wait(b):
        pltpu.make_async_copy(
            bufs[b], out_hbm.at[pl.ds(base, CHUNK)], sss[b]).wait()

    for b in range(NBUF):
        g_start(b, b)

    def body(i, carry):
        c0 = NBUF * i
        for b in range(NBUF):
            g_wait(b)
            s_start(c0 + b, b)
        for b in range(NBUF):
            s_wait(b)
            g_start(c0 + NBUF + b, b)
        return carry

    lax.fori_loop(0, N_GROUP - 1, body, 0)

    c0 = NBUF * (N_GROUP - 1)
    for b in range(NBUF):
        g_wait(b)
        s_start(c0 + b, b)
    for b in range(NBUF):
        s_wait(b)


def kernel(input_ids, table):
    ids = input_ids.reshape(-1).astype(jnp.int32)
    out = _gather_kernel(ids, table)
    return out.reshape(input_ids.shape[0], input_ids.shape[1], DIM)

# --- scband reference (transcript-rebuilt; emitter-appended) ---
"""Pipeline reference for scband-token-embedder-23819888623701 (READ-ONLY COPY).

The authoritative reference and input builder live on the scoring server;
editing this copy changes nothing except your own understanding.
"""

import jax, jax.numpy as jnp
import numpy as np

VOCAB = 30522
DIM = 768
BATCH = 1024
SEQ = 200

def setup_inputs(seed: int = 0) -> dict:
    key = jax.random.key(seed)
    k_ids, k_tab = jax.random.split(key)
    input_ids = jax.random.randint(k_ids, (BATCH, SEQ), 0, VOCAB, dtype=jnp.int64 if jax.config.jax_enable_x64 else jnp.int32)
    # Frozen BERT word-embedding table (bert-base-uncased: 30522 x 768)
    table = jax.random.normal(k_tab, (VOCAB, DIM), dtype=jnp.float32) * 0.02
    return {"input_ids": input_ids, "table": table}

def reference(input_ids, table):
    # TokenEmbedder with only_embedding=True: self.model(input_ids) where
    # self.model is nn.Embedding(vocab, hidden) extracted from BERT.
    return jnp.take(table, input_ids, axis=0)

if __name__ == "__main__":
    import jax
    _d = setup_inputs()
    print(jax.jit(kernel)(*tuple(_d.values())))

</pallas_src>

<mosaic_0001>
#map = affine_map<(d0, d1) -> (0)>
#map1 = affine_map<(d0, d1) -> (0, 0)>
module attributes {stable_mosaic.version = 14 : i64} {
  func.func @_gather_kernel(%arg0: i32, %arg1: i32, %arg2: memref<204800xi32, #tpu.memory_space<hbm>>, %arg3: memref<30522x768xf32, #tpu.memory_space<hbm>>, %arg4: memref<204800x768xf32, #tpu.memory_space<hbm>>, %arg5: memref<6400xi32, #tpu.memory_space<vmem>>, %arg6: memref<40x768xf32, #tpu.memory_space<vmem>>, %arg7: memref<40x768xf32, #tpu.memory_space<vmem>>, %arg8: memref<40x768xf32, #tpu.memory_space<vmem>>, %arg9: memref<40x768xf32, #tpu.memory_space<vmem>>, %arg10: memref<!tpu.dma_semaphore, #tpu.memory_space<semaphore_mem>>, %arg11: memref<!tpu.dma_semaphore, #tpu.memory_space<semaphore_mem>>, %arg12: memref<!tpu.dma_semaphore, #tpu.memory_space<semaphore_mem>>, %arg13: memref<!tpu.dma_semaphore, #tpu.memory_space<semaphore_mem>>, %arg14: memref<!tpu.dma_semaphore, #tpu.memory_space<semaphore_mem>>, %arg15: memref<!tpu.dma_semaphore, #tpu.memory_space<semaphore_mem>>, %arg16: memref<!tpu.dma_semaphore, #tpu.memory_space<semaphore_mem>>, %arg17: memref<!tpu.dma_semaphore, #tpu.memory_space<semaphore_mem>>) attributes {dimension_semantics = [#tpu.dimension_semantics<core_parallel>, #tpu.dimension_semantics<subcore_parallel>], iteration_bounds = array<i64: 2, 16>, scalar_prefetch = 0 : i64, scratch_operands = 13 : i64, tpu.core_type = #tpu.core_type<sc_vector_subcore>, window_params = [{transform_indices = #map}, {transform_indices = #map1}, {transform_indices = #map1}]} {
    %mul3A = arith.constant 2 : i32
    %mul3A_0 = arith.muli %arg1, %mul3A : i32
    %add3A = arith.addi %mul3A_0, %arg0 : i32
    %mul3A_1 = arith.constant 6400 : i32
    %mul3A_2 = arith.muli %add3A, %mul3A_1 : i32
    "tpu.region"() ({
      %run_scoped3A = tpu.sem_alloc : memref<!tpu.dma_semaphore, #tpu.memory_space<semaphore_mem>>
      %dma_start3A_86 = tpu.memref_slice %arg2[%mul3A_2] : memref<204800xi32, #tpu.memory_space<hbm>> -> memref<6400xi32, #tpu.memory_space<hbm>>
      %dma_start3A_87 = tpu.memref_slice %arg2[%mul3A_2] : memref<204800xi32, #tpu.memory_space<hbm>> -> memref<6400xi32, #tpu.memory_space<hbm>>
      tpu.enqueue_dma source(%dma_start3A_87 : memref<6400xi32, #tpu.memory_space<hbm>>) target(%arg5 : memref<6400xi32, #tpu.memory_space<vmem>>) target_semaphore(%run_scoped3A : memref<!tpu.dma_semaphore, #tpu.memory_space<semaphore_mem>>)
      %dma_wait3A_88 = tpu.memref_slice %arg2[%mul3A_2] : memref<204800xi32, #tpu.memory_space<hbm>> -> memref<6400xi32, #tpu.memory_space<hbm>>
      %dma_wait3A_89 = tpu.memref_slice %arg2[%mul3A_2] : memref<204800xi32, #tpu.memory_space<hbm>> -> memref<6400xi32, #tpu.memory_space<hbm>>
      tpu.wait_dma2 semaphore(%run_scoped3A : memref<!tpu.dma_semaphore, #tpu.memory_space<semaphore_mem>>) src(%dma_wait3A_89 : memref<6400xi32, #tpu.memory_space<hbm>>) dst(%arg5 : memref<6400xi32, #tpu.memory_space<vmem>>)
      tpu.yield
    }) : () -> ()
    %dma_start3A = arith.constant 0 : i32
    %dma_start3A_3 = tpu.memref_slice %arg5[%dma_start3A] : memref<6400xi32, #tpu.memory_space<vmem>> -> memref<40xi32, #tpu.memory_space<vmem>>
    %dma_start3A_4 = arith.constant 0 : i32
    %dma_start3A_5 = arith.constant 0 : i32
    %dma_start3A_6 = tpu.memref_slice %arg3[%dma_start3A_4, %dma_start3A_5] : memref<30522x768xf32, #tpu.memory_space<hbm>> -> memref<30522x768xf32, #tpu.memory_space<hbm>>
    tpu.enqueue_indirect_dma source(%dma_start3A_6 : memref<30522x768xf32, #tpu.memory_space<hbm>>) target(%arg6 : memref<40x768xf32, #tpu.memory_space<vmem>>) offsets(%dma_start3A_3 : memref<40xi32, #tpu.memory_space<vmem>>) semaphore(%arg10 : memref<!tpu.dma_semaphore, #tpu.memory_space<semaphore_mem>>)
    %dma_start3A_7 = arith.constant 40 : i32
    %dma_start3A_8 = tpu.memref_slice %arg5[%dma_start3A_7] : memref<6400xi32, #tpu.memory_space<vmem>> -> memref<40xi32, #tpu.memory_space<vmem>>
    %dma_start3A_9 = arith.constant 0 : i32
    %dma_start3A_10 = arith.constant 0 : i32
    %dma_start3A_11 = tpu.memref_slice %arg3[%dma_start3A_9, %dma_start3A_10] : memref<30522x768xf32, #tpu.memory_space<hbm>> -> memref<30522x768xf32, #tpu.memory_space<hbm>>
    tpu.enqueue_indirect_dma source(%dma_start3A_11 : memref<30522x768xf32, #tpu.memory_space<hbm>>) target(%arg7 : memref<40x768xf32, #tpu.memory_space<vmem>>) offsets(%dma_start3A_8 : memref<40xi32, #tpu.memory_space<vmem>>) semaphore(%arg11 : memref<!tpu.dma_semaphore, #tpu.memory_space<semaphore_mem>>)
    %dma_start3A_12 = arith.constant 80 : i32
    %dma_start3A_13 = tpu.memref_slice %arg5[%dma_start3A_12] : memref<6400xi32, #tpu.memory_space<vmem>> -> memref<40xi32, #tpu.memory_space<vmem>>
    %dma_start3A_14 = arith.constant 0 : i32
    %dma_start3A_15 = arith.constant 0 : i32
    %dma_start3A_16 = tpu.memref_slice %arg3[%dma_start3A_14, %dma_start3A_15] : memref<30522x768xf32, #tpu.memory_space<hbm>> -> memref<30522x768xf32, #tpu.memory_space<hbm>>
    tpu.enqueue_indirect_dma source(%dma_start3A_16 : memref<30522x768xf32, #tpu.memory_space<hbm>>) target(%arg8 : memref<40x768xf32, #tpu.memory_space<vmem>>) offsets(%dma_start3A_13 : memref<40xi32, #tpu.memory_space<vmem>>) semaphore(%arg12 : memref<!tpu.dma_semaphore, #tpu.memory_space<semaphore_mem>>)
    %dma_start3A_17 = arith.constant 120 : i32
    %dma_start3A_18 = tpu.memref_slice %arg5[%dma_start3A_17] : memref<6400xi32, #tpu.memory_space<vmem>> -> memref<40xi32, #tpu.memory_space<vmem>>
    %dma_start3A_19 = arith.constant 0 : i32
    %dma_start3A_20 = arith.constant 0 : i32
    %dma_start3A_21 = tpu.memref_slice %arg3[%dma_start3A_19, %dma_start3A_20] : memref<30522x768xf32, #tpu.memory_space<hbm>> -> memref<30522x768xf32, #tpu.memory_space<hbm>>
    tpu.enqueue_indirect_dma source(%dma_start3A_21 : memref<30522x768xf32, #tpu.memory_space<hbm>>) target(%arg9 : memref<40x768xf32, #tpu.memory_space<vmem>>) offsets(%dma_start3A_18 : memref<40xi32, #tpu.memory_space<vmem>>) semaphore(%arg13 : memref<!tpu.dma_semaphore, #tpu.memory_space<semaphore_mem>>)
    %scan3A = arith.constant 0 : i32
    %scan3A_22 = arith.constant 0 : i32
    %scan3A_23 = arith.constant 39 : i32
    %scan3A_24 = arith.addi %scan3A_22, %scan3A_23 : i32
    %scan3A_25 = arith.constant 1 : i32
    scf.for %scan3A_86 = %scan3A_22 to %scan3A_24 step %scan3A_25  : i32 {
      %mul3A_87 = arith.constant 4 : i32
      %mul3A_88 = arith.muli %mul3A_87, %scan3A_86 : i32
      %dma_wait3A_89 = arith.constant 0 : i32
      %dma_wait3A_90 = tpu.memref_slice %arg5[%dma_wait3A_89] : memref<6400xi32, #tpu.memory_space<vmem>> -> memref<40xi32, #tpu.memory_space<vmem>>
      %dma_wait3A_91 = arith.constant 0 : i32
      %dma_wait3A_92 = arith.constant 0 : i32
      %dma_wait3A_93 = tpu.memref_slice %arg3[%dma_wait3A_91, %dma_wait3A_92] : memref<30522x768xf32, #tpu.memory_space<hbm>> -> memref<30522x768xf32, #tpu.memory_space<hbm>>
      tpu.wait_indirect_dma semaphore(%arg10 : memref<!tpu.dma_semaphore, #tpu.memory_space<semaphore_mem>>) src(%dma_wait3A_93 : memref<30522x768xf32, #tpu.memory_space<hbm>>) dst(%arg6 : memref<40x768xf32, #tpu.memory_space<vmem>>)
      %add3A_94 = arith.constant 0 : i32
      %add3A_95 = arith.addi %mul3A_88, %add3A_94 : i32
      %mul3A_96 = arith.constant 40 : i32
      %mul3A_97 = arith.muli %add3A_95, %mul3A_96 : i32
      %add3A_98 = arith.addi %mul3A_2, %mul3A_97 : i32
      %dma_start3A_99 = arith.constant 0 : i32
      %dma_start3A_100 = tpu.memref_slice %arg4[%add3A_98, %dma_start3A_99] : memref<204800x768xf32, #tpu.memory_space<hbm>> -> memref<40x768xf32, #tpu.memory_space<hbm>>
      %dma_start3A_101 = arith.constant 0 : i32
      %dma_start3A_102 = tpu.memref_slice %arg4[%add3A_98, %dma_start3A_101] : memref<204800x768xf32, #tpu.memory_space<hbm>> -> memref<40x768xf32, #tpu.memory_space<hbm>>
      tpu.enqueue_dma source(%arg6 : memref<40x768xf32, #tpu.memory_space<vmem>>) target(%dma_start3A_102 : memref<40x768xf32, #tpu.memory_space<hbm>>) target_semaphore(%arg14 : memref<!tpu.dma_semaphore, #tpu.memory_space<semaphore_mem>>)
      %dma_wait3A_103 = arith.constant 0 : i32
      %dma_wait3A_104 = tpu.memref_slice %arg5[%dma_wait3A_103] : memref<6400xi32, #tpu.memory_space<vmem>> -> memref<40xi32, #tpu.memory_space<vmem>>
      %dma_wait3A_105 = arith.constant 0 : i32
      %dma_wait3A_106 = arith.constant 0 : i32
      %dma_wait3A_107 = tpu.memref_slice %arg3[%dma_wait3A_105, %dma_wait3A_106] : memref<30522x768xf32, #tpu.memory_space<hbm>> -> memref<30522x768xf32, #tpu.memory_space<hbm>>
      tpu.wait_indirect_dma semaphore(%arg11 : memref<!tpu.dma_semaphore, #tpu.memory_space<semaphore_mem>>) src(%dma_wait3A_107 : memref<30522x768xf32, #tpu.memory_space<hbm>>) dst(%arg7 : memref<40x768xf32, #tpu.memory_space<vmem>>)
      %add3A_108 = arith.constant 1 : i32
      %add3A_109 = arith.addi %mul3A_88, %add3A_108 : i32
      %mul3A_110 = arith.constant 40 : i32
      %mul3A_111 = arith.muli %add3A_109, %mul3A_110 : i32
      %add3A_112 = arith.addi %mul3A_2, %mul3A_111 : i32
      %dma_start3A_113 = arith.constant 0 : i32
      %dma_start3A_114 = tpu.memref_slice %arg4[%add3A_112, %dma_start3A_113] : memref<204800x768xf32, #tpu.memory_space<hbm>> -> memref<40x768xf32, #tpu.memory_space<hbm>>
      %dma_start3A_115 = arith.constant 0 : i32
      %dma_start3A_116 = tpu.memref_slice %arg4[%add3A_112, %dma_start3A_115] : memref<204800x768xf32, #tpu.memory_space<hbm>> -> memref<40x768xf32, #tpu.memory_space<hbm>>
      tpu.enqueue_dma source(%arg7 : memref<40x768xf32, #tpu.memory_space<vmem>>) target(%dma_start3A_116 : memref<40x768xf32, #tpu.memory_space<hbm>>) target_semaphore(%arg15 : memref<!tpu.dma_semaphore, #tpu.memory_space<semaphore_mem>>)
      %dma_wait3A_117 = arith.constant 0 : i32
      %dma_wait3A_118 = tpu.memref_slice %arg5[%dma_wait3A_117] : memref<6400xi32, #tpu.memory_space<vmem>> -> memref<40xi32, #tpu.memory_space<vmem>>
      %dma_wait3A_119 = arith.constant 0 : i32
      %dma_wait3A_120 = arith.constant 0 : i32
      %dma_wait3A_121 = tpu.memref_slice %arg3[%dma_wait3A_119, %dma_wait3A_120] : memref<30522x768xf32, #tpu.memory_space<hbm>> -> memref<30522x768xf32, #tpu.memory_space<hbm>>
      tpu.wait_indirect_dma semaphore(%arg12 : memref<!tpu.dma_semaphore, #tpu.memory_space<semaphore_mem>>) src(%dma_wait3A_121 : memref<30522x768xf32, #tpu.memory_space<hbm>>) dst(%arg8 : memref<40x768xf32, #tpu.memory_space<vmem>>)
      %add3A_122 = arith.constant 2 : i32
      %add3A_123 = arith.addi %mul3A_88, %add3A_122 : i32
      %mul3A_124 = arith.constant 40 : i32
      %mul3A_125 = arith.muli %add3A_123, %mul3A_124 : i32
      %add3A_126 = arith.addi %mul3A_2, %mul3A_125 : i32
      %dma_start3A_127 = arith.constant 0 : i32
      %dma_start3A_128 = tpu.memref_slice %arg4[%add3A_126, %dma_start3A_127] : memref<204800x768xf32, #tpu.memory_space<hbm>> -> memref<40x768xf32, #tpu.memory_space<hbm>>
      %dma_start3A_129 = arith.constant 0 : i32
      %dma_start3A_130 = tpu.memref_slice %arg4[%add3A_126, %dma_start3A_129] : memref<204800x768xf32, #tpu.memory_space<hbm>> -> memref<40x768xf32, #tpu.memory_space<hbm>>
      tpu.enqueue_dma source(%arg8 : memref<40x768xf32, #tpu.memory_space<vmem>>) target(%dma_start3A_130 : memref<40x768xf32, #tpu.memory_space<hbm>>) target_semaphore(%arg16 : memref<!tpu.dma_semaphore, #tpu.memory_space<semaphore_mem>>)
      %dma_wait3A_131 = arith.constant 0 : i32
      %dma_wait3A_132 = tpu.memref_slice %arg5[%dma_wait3A_131] : memref<6400xi32, #tpu.memory_space<vmem>> -> memref<40xi32, #tpu.memory_space<vmem>>
      %dma_wait3A_133 = arith.constant 0 : i32
      %dma_wait3A_134 = arith.constant 0 : i32
      %dma_wait3A_135 = tpu.memref_slice %arg3[%dma_wait3A_133, %dma_wait3A_134] : memref<30522x768xf32, #tpu.memory_space<hbm>> -> memref<30522x768xf32, #tpu.memory_space<hbm>>
      tpu.wait_indirect_dma semaphore(%arg13 : memref<!tpu.dma_semaphore, #tpu.memory_space<semaphore_mem>>) src(%dma_wait3A_135 : memref<30522x768xf32, #tpu.memory_space<hbm>>) dst(%arg9 : memref<40x768xf32, #tpu.memory_space<vmem>>)
      %add3A_136 = arith.constant 3 : i32
      %add3A_137 = arith.addi %mul3A_88, %add3A_136 : i32
      %mul3A_138 = arith.constant 40 : i32
      %mul3A_139 = arith.muli %add3A_137, %mul3A_138 : i32
      %add3A_140 = arith.addi %mul3A_2, %mul3A_139 : i32
      %dma_start3A_141 = arith.constant 0 : i32
      %dma_start3A_142 = tpu.memref_slice %arg4[%add3A_140, %dma_start3A_141] : memref<204800x768xf32, #tpu.memory_space<hbm>> -> memref<40x768xf32, #tpu.memory_space<hbm>>
      %dma_start3A_143 = arith.constant 0 : i32
      %dma_start3A_144 = tpu.memref_slice %arg4[%add3A_140, %dma_start3A_143] : memref<204800x768xf32, #tpu.memory_space<hbm>> -> memref<40x768xf32, #tpu.memory_space<hbm>>
      tpu.enqueue_dma source(%arg9 : memref<40x768xf32, #tpu.memory_space<vmem>>) target(%dma_start3A_144 : memref<40x768xf32, #tpu.memory_space<hbm>>) target_semaphore(%arg17 : memref<!tpu.dma_semaphore, #tpu.memory_space<semaphore_mem>>)
      %dma_wait3A_145 = arith.constant 0 : i32
      %dma_wait3A_146 = tpu.memref_slice %arg4[%mul3A_2, %dma_wait3A_145] : memref<204800x768xf32, #tpu.memory_space<hbm>> -> memref<40x768xf32, #tpu.memory_space<hbm>>
      %dma_wait3A_147 = arith.constant 0 : i32
      %dma_wait3A_148 = tpu.memref_slice %arg4[%mul3A_2, %dma_wait3A_147] : memref<204800x768xf32, #tpu.memory_space<hbm>> -> memref<40x768xf32, #tpu.memory_space<hbm>>
      tpu.wait_dma2 semaphore(%arg14 : memref<!tpu.dma_semaphore, #tpu.memory_space<semaphore_mem>>) src(%arg6 : memref<40x768xf32, #tpu.memory_space<vmem>>) dst(%dma_wait3A_148 : memref<40x768xf32, #tpu.memory_space<hbm>>)
      %add3A_149 = arith.constant 4 : i32
      %add3A_150 = arith.addi %mul3A_88, %add3A_149 : i32
      %add3A_151 = arith.constant 0 : i32
      %add3A_152 = arith.addi %add3A_150, %add3A_151 : i32
      %mul3A_153 = arith.constant 40 : i32
      %mul3A_154 = arith.muli %add3A_152, %mul3A_153 : i32
      %dma_start3A_155 = tpu.memref_slice %arg5[%mul3A_154] : memref<6400xi32, #tpu.memory_space<vmem>> -> memref<40xi32, #tpu.memory_space<vmem>>
      %dma_start3A_156 = arith.constant 0 : i32
      %dma_start3A_157 = arith.constant 0 : i32
      %dma_start3A_158 = tpu.memref_slice %arg3[%dma_start3A_156, %dma_start3A_157] : memref<30522x768xf32, #tpu.memory_space<hbm>> -> memref<30522x768xf32, #tpu.memory_space<hbm>>
      tpu.enqueue_indirect_dma source(%dma_start3A_158 : memref<30522x768xf32, #tpu.memory_space<hbm>>) target(%arg6 : memref<40x768xf32, #tpu.memory_space<vmem>>) offsets(%dma_start3A_155 : memref<40xi32, #tpu.memory_space<vmem>>) semaphore(%arg10 : memref<!tpu.dma_semaphore, #tpu.memory_space<semaphore_mem>>)
      %dma_wait3A_159 = arith.constant 0 : i32
      %dma_wait3A_160 = tpu.memref_slice %arg4[%mul3A_2, %dma_wait3A_159] : memref<204800x768xf32, #tpu.memory_space<hbm>> -> memref<40x768xf32, #tpu.memory_space<hbm>>
      %dma_wait3A_161 = arith.constant 0 : i32
      %dma_wait3A_162 = tpu.memref_slice %arg4[%mul3A_2, %dma_wait3A_161] : memref<204800x768xf32, #tpu.memory_space<hbm>> -> memref<40x768xf32, #tpu.memory_space<hbm>>
      tpu.wait_dma2 semaphore(%arg15 : memref<!tpu.dma_semaphore, #tpu.memory_space<semaphore_mem>>) src(%arg7 : memref<40x768xf32, #tpu.memory_space<vmem>>) dst(%dma_wait3A_162 : memref<40x768xf32, #tpu.memory_space<hbm>>)
      %add3A_163 = arith.constant 4 : i32
      %add3A_164 = arith.addi %mul3A_88, %add3A_163 : i32
      %add3A_165 = arith.constant 1 : i32
      %add3A_166 = arith.addi %add3A_164, %add3A_165 : i32
      %mul3A_167 = arith.constant 40 : i32
      %mul3A_168 = arith.muli %add3A_166, %mul3A_167 : i32
      %dma_start3A_169 = tpu.memref_slice %arg5[%mul3A_168] : memref<6400xi32, #tpu.memory_space<vmem>> -> memref<40xi32, #tpu.memory_space<vmem>>
      %dma_start3A_170 = arith.constant 0 : i32
      %dma_start3A_171 = arith.constant 0 : i32
      %dma_start3A_172 = tpu.memref_slice %arg3[%dma_start3A_170, %dma_start3A_171] : memref<30522x768xf32, #tpu.memory_space<hbm>> -> memref<30522x768xf32, #tpu.memory_space<hbm>>
      tpu.enqueue_indirect_dma source(%dma_start3A_172 : memref<30522x768xf32, #tpu.memory_space<hbm>>) target(%arg7 : memref<40x768xf32, #tpu.memory_space<vmem>>) offsets(%dma_start3A_169 : memref<40xi32, #tpu.memory_space<vmem>>) semaphore(%arg11 : memref<!tpu.dma_semaphore, #tpu.memory_space<semaphore_mem>>)
      %dma_wait3A_173 = arith.constant 0 : i32
      %dma_wait3A_174 = tpu.memref_slice %arg4[%mul3A_2, %dma_wait3A_173] : memref<204800x768xf32, #tpu.memory_space<hbm>> -> memref<40x768xf32, #tpu.memory_space<hbm>>
      %dma_wait3A_175 = arith.constant 0 : i32
      %dma_wait3A_176 = tpu.memref_slice %arg4[%mul3A_2, %dma_wait3A_175] : memref<204800x768xf32, #tpu.memory_space<hbm>> -> memref<40x768xf32, #tpu.memory_space<hbm>>
      tpu.wait_dma2 semaphore(%arg16 : memref<!tpu.dma_semaphore, #tpu.memory_space<semaphore_mem>>) src(%arg8 : memref<40x768xf32, #tpu.memory_space<vmem>>) dst(%dma_wait3A_176 : memref<40x768xf32, #tpu.memory_space<hbm>>)
      %add3A_177 = arith.constant 4 : i32
      %add3A_178 = arith.addi %mul3A_88, %add3A_177 : i32
      %add3A_179 = arith.constant 2 : i32
      %add3A_180 = arith.addi %add3A_178, %add3A_179 : i32
      %mul3A_181 = arith.constant 40 : i32
      %mul3A_182 = arith.muli %add3A_180, %mul3A_181 : i32
      %dma_start3A_183 = tpu.memref_slice %arg5[%mul3A_182] : memref<6400xi32, #tpu.memory_space<vmem>> -> memref<40xi32, #tpu.memory_space<vmem>>
      %dma_start3A_184 = arith.constant 0 : i32
      %dma_start3A_185 = arith.constant 0 : i32
      %dma_start3A_186 = tpu.memref_slice %arg3[%dma_start3A_184, %dma_start3A_185] : memref<30522x768xf32, #tpu.memory_space<hbm>> -> memref<30522x768xf32, #tpu.memory_space<hbm>>
      tpu.enqueue_indirect_dma source(%dma_start3A_186 : memref<30522x768xf32, #tpu.memory_space<hbm>>) target(%arg8 : memref<40x768xf32, #tpu.memory_space<vmem>>) offsets(%dma_start3A_183 : memref<40xi32, #tpu.memory_space<vmem>>) semaphore(%arg12 : memref<!tpu.dma_semaphore, #tpu.memory_space<semaphore_mem>>)
      %dma_wait3A_187 = arith.constant 0 : i32
      %dma_wait3A_188 = tpu.memref_slice %arg4[%mul3A_2, %dma_wait3A_187] : memref<204800x768xf32, #tpu.memory_space<hbm>> -> memref<40x768xf32, #tpu.memory_space<hbm>>
      %dma_wait3A_189 = arith.constant 0 : i32
      %dma_wait3A_190 = tpu.memref_slice %arg4[%mul3A_2, %dma_wait3A_189] : memref<204800x768xf32, #tpu.memory_space<hbm>> -> memref<40x768xf32, #tpu.memory_space<hbm>>
      tpu.wait_dma2 semaphore(%arg17 : memref<!tpu.dma_semaphore, #tpu.memory_space<semaphore_mem>>) src(%arg9 : memref<40x768xf32, #tpu.memory_space<vmem>>) dst(%dma_wait3A_190 : memref<40x768xf32, #tpu.memory_space<hbm>>)
      %add3A_191 = arith.constant 4 : i32
      %add3A_192 = arith.addi %mul3A_88, %add3A_191 : i32
      %add3A_193 = arith.constant 3 : i32
      %add3A_194 = arith.addi %add3A_192, %add3A_193 : i32
      %mul3A_195 = arith.constant 40 : i32
      %mul3A_196 = arith.muli %add3A_194, %mul3A_195 : i32
      %dma_start3A_197 = tpu.memref_slice %arg5[%mul3A_196] : memref<6400xi32, #tpu.memory_space<vmem>> -> memref<40xi32, #tpu.memory_space<vmem>>
      %dma_start3A_198 = arith.constant 0 : i32
      %dma_start3A_199 = arith.constant 0 : i32
      %dma_start3A_200 = tpu.memref_slice %arg3[%dma_start3A_198, %dma_start3A_199] : memref<30522x768xf32, #tpu.memory_space<hbm>> -> memref<30522x768xf32, #tpu.memory_space<hbm>>
      tpu.enqueue_indirect_dma source(%dma_start3A_200 : memref<30522x768xf32, #tpu.memory_space<hbm>>) target(%arg9 : memref<40x768xf32, #tpu.memory_space<vmem>>) offsets(%dma_start3A_197 : memref<40xi32, #tpu.memory_space<vmem>>) semaphore(%arg13 : memref<!tpu.dma_semaphore, #tpu.memory_space<semaphore_mem>>)
    }
    %scan3A_26 = arith.constant 39 : i32
    %dma_wait3A = arith.constant 0 : i32
    %dma_wait3A_27 = tpu.memref_slice %arg5[%dma_wait3A] : memref<6400xi32, #tpu.memory_space<vmem>> -> memref<40xi32, #tpu.memory_space<vmem>>
    %dma_wait3A_28 = arith.constant 0 : i32
    %dma_wait3A_29 = arith.constant 0 : i32
    %dma_wait3A_30 = tpu.memref_slice %arg3[%dma_wait3A_28, %dma_wait3A_29] : memref<30522x768xf32, #tpu.memory_space<hbm>> -> memref<30522x768xf32, #tpu.memory_space<hbm>>
    tpu.wait_indirect_dma semaphore(%arg10 : memref<!tpu.dma_semaphore, #tpu.memory_space<semaphore_mem>>) src(%dma_wait3A_30 : memref<30522x768xf32, #tpu.memory_space<hbm>>) dst(%arg6 : memref<40x768xf32, #tpu.memory_space<vmem>>)
    %add3A_31 = arith.constant 6240 : i32
    %add3A_32 = arith.addi %mul3A_2, %add3A_31 : i32
    %dma_start3A_33 = arith.constant 0 : i32
    %dma_start3A_34 = tpu.memref_slice %arg4[%add3A_32, %dma_start3A_33] : memref<204800x768xf32, #tpu.memory_space<hbm>> -> memref<40x768xf32, #tpu.memory_space<hbm>>
    %dma_start3A_35 = arith.constant 0 : i32
    %dma_start3A_36 = tpu.memref_slice %arg4[%add3A_32, %dma_start3A_35] : memref<204800x768xf32, #tpu.memory_space<hbm>> -> memref<40x768xf32, #tpu.memory_space<hbm>>
    tpu.enqueue_dma source(%arg6 : memref<40x768xf32, #tpu.memory_space<vmem>>) target(%dma_start3A_36 : memref<40x768xf32, #tpu.memory_space<hbm>>) target_semaphore(%arg14 : memref<!tpu.dma_semaphore, #tpu.memory_space<semaphore_mem>>)
    %dma_wait3A_37 = arith.constant 0 : i32
    %dma_wait3A_38 = tpu.memref_slice %arg5[%dma_wait3A_37] : memref<6400xi32, #tpu.memory_space<vmem>> -> memref<40xi32, #tpu.memory_space<vmem>>
    %dma_wait3A_39 = arith.constant 0 : i32
    %dma_wait3A_40 = arith.constant 0 : i32
    %dma_wait3A_41 = tpu.memref_slice %arg3[%dma_wait3A_39, %dma_wait3A_40] : memref<30522x768xf32, #tpu.memory_space<hbm>> -> memref<30522x768xf32, #tpu.memory_space<hbm>>
    tpu.wait_indirect_dma semaphore(%arg11 : memref<!tpu.dma_semaphore, #tpu.memory_space<semaphore_mem>>) src(%dma_wait3A_41 : memref<30522x768xf32, #tpu.memory_space<hbm>>) dst(%arg7 : memref<40x768xf32, #tpu.memory_space<vmem>>)
    %add3A_42 = arith.constant 6280 : i32
    %add3A_43 = arith.addi %mul3A_2, %add3A_42 : i32
    %dma_start3A_44 = arith.constant 0 : i32
    %dma_start3A_45 = tpu.memref_slice %arg4[%add3A_43, %dma_start3A_44] : memref<204800x768xf32, #tpu.memory_space<hbm>> -> memref<40x768xf32, #tpu.memory_space<hbm>>
    %dma_start3A_46 = arith.constant 0 : i32
    %dma_start3A_47 = tpu.memref_slice %arg4[%add3A_43, %dma_start3A_46] : memref<204800x768xf32, #tpu.memory_space<hbm>> -> memref<40x768xf32, #tpu.memory_space<hbm>>
    tpu.enqueue_dma source(%arg7 : memref<40x768xf32, #tpu.memory_space<vmem>>) target(%dma_start3A_47 : memref<40x768xf32, #tpu.memory_space<hbm>>) target_semaphore(%arg15 : memref<!tpu.dma_semaphore, #tpu.memory_space<semaphore_mem>>)
    %dma_wait3A_48 = arith.constant 0 : i32
    %dma_wait3A_49 = tpu.memref_slice %arg5[%dma_wait3A_48] : memref<6400xi32, #tpu.memory_space<vmem>> -> memref<40xi32, #tpu.memory_space<vmem>>
    %dma_wait3A_50 = arith.constant 0 : i32
    %dma_wait3A_51 = arith.constant 0 : i32
    %dma_wait3A_52 = tpu.memref_slice %arg3[%dma_wait3A_50, %dma_wait3A_51] : memref<30522x768xf32, #tpu.memory_space<hbm>> -> memref<30522x768xf32, #tpu.memory_space<hbm>>
    tpu.wait_indirect_dma semaphore(%arg12 : memref<!tpu.dma_semaphore, #tpu.memory_space<semaphore_mem>>) src(%dma_wait3A_52 : memref<30522x768xf32, #tpu.memory_space<hbm>>) dst(%arg8 : memref<40x768xf32, #tpu.memory_space<vmem>>)
    %add3A_53 = arith.constant 6320 : i32
    %add3A_54 = arith.addi %mul3A_2, %add3A_53 : i32
    %dma_start3A_55 = arith.constant 0 : i32
    %dma_start3A_56 = tpu.memref_slice %arg4[%add3A_54, %dma_start3A_55] : memref<204800x768xf32, #tpu.memory_space<hbm>> -> memref<40x768xf32, #tpu.memory_space<hbm>>
    %dma_start3A_57 = arith.constant 0 : i32
    %dma_start3A_58 = tpu.memref_slice %arg4[%add3A_54, %dma_start3A_57] : memref<204800x768xf32, #tpu.memory_space<hbm>> -> memref<40x768xf32, #tpu.memory_space<hbm>>
    tpu.enqueue_dma source(%arg8 : memref<40x768xf32, #tpu.memory_space<vmem>>) target(%dma_start3A_58 : memref<40x768xf32, #tpu.memory_space<hbm>>) target_semaphore(%arg16 : memref<!tpu.dma_semaphore, #tpu.memory_space<semaphore_mem>>)
    %dma_wait3A_59 = arith.constant 0 : i32
    %dma_wait3A_60 = tpu.memref_slice %arg5[%dma_wait3A_59] : memref<6400xi32, #tpu.memory_space<vmem>> -> memref<40xi32, #tpu.memory_space<vmem>>
    %dma_wait3A_61 = arith.constant 0 : i32
    %dma_wait3A_62 = arith.constant 0 : i32
    %dma_wait3A_63 = tpu.memref_slice %arg3[%dma_wait3A_61, %dma_wait3A_62] : memref<30522x768xf32, #tpu.memory_space<hbm>> -> memref<30522x768xf32, #tpu.memory_space<hbm>>
    tpu.wait_indirect_dma semaphore(%arg13 : memref<!tpu.dma_semaphore, #tpu.memory_space<semaphore_mem>>) src(%dma_wait3A_63 : memref<30522x768xf32, #tpu.memory_space<hbm>>) dst(%arg9 : memref<40x768xf32, #tpu.memory_space<vmem>>)
    %add3A_64 = arith.constant 6360 : i32
    %add3A_65 = arith.addi %mul3A_2, %add3A_64 : i32
    %dma_start3A_66 = arith.constant 0 : i32
    %dma_start3A_67 = tpu.memref_slice %arg4[%add3A_65, %dma_start3A_66] : memref<204800x768xf32, #tpu.memory_space<hbm>> -> memref<40x768xf32, #tpu.memory_space<hbm>>
    %dma_start3A_68 = arith.constant 0 : i32
    %dma_start3A_69 = tpu.memref_slice %arg4[%add3A_65, %dma_start3A_68] : memref<204800x768xf32, #tpu.memory_space<hbm>> -> memref<40x768xf32, #tpu.memory_space<hbm>>
    tpu.enqueue_dma source(%arg9 : memref<40x768xf32, #tpu.memory_space<vmem>>) target(%dma_start3A_69 : memref<40x768xf32, #tpu.memory_space<hbm>>) target_semaphore(%arg17 : memref<!tpu.dma_semaphore, #tpu.memory_space<semaphore_mem>>)
    %dma_wait3A_70 = arith.constant 0 : i32
    %dma_wait3A_71 = tpu.memref_slice %arg4[%mul3A_2, %dma_wait3A_70] : memref<204800x768xf32, #tpu.memory_space<hbm>> -> memref<40x768xf32, #tpu.memory_space<hbm>>
    %dma_wait3A_72 = arith.constant 0 : i32
    %dma_wait3A_73 = tpu.memref_slice %arg4[%mul3A_2, %dma_wait3A_72] : memref<204800x768xf32, #tpu.memory_space<hbm>> -> memref<40x768xf32, #tpu.memory_space<hbm>>
    tpu.wait_dma2 semaphore(%arg14 : memref<!tpu.dma_semaphore, #tpu.memory_space<semaphore_mem>>) src(%arg6 : memref<40x768xf32, #tpu.memory_space<vmem>>) dst(%dma_wait3A_73 : memref<40x768xf32, #tpu.memory_space<hbm>>)
    %dma_wait3A_74 = arith.constant 0 : i32
    %dma_wait3A_75 = tpu.memref_slice %arg4[%mul3A_2, %dma_wait3A_74] : memref<204800x768xf32, #tpu.memory_space<hbm>> -> memref<40x768xf32, #tpu.memory_space<hbm>>
    %dma_wait3A_76 = arith.constant 0 : i32
    %dma_wait3A_77 = tpu.memref_slice %arg4[%mul3A_2, %dma_wait3A_76] : memref<204800x768xf32, #tpu.memory_space<hbm>> -> memref<40x768xf32, #tpu.memory_space<hbm>>
    tpu.wait_dma2 semaphore(%arg15 : memref<!tpu.dma_semaphore, #tpu.memory_space<semaphore_mem>>) src(%arg7 : memref<40x768xf32, #tpu.memory_space<vmem>>) dst(%dma_wait3A_77 : memref<40x768xf32, #tpu.memory_space<hbm>>)
    %dma_wait3A_78 = arith.constant 0 : i32
    %dma_wait3A_79 = tpu.memref_slice %arg4[%mul3A_2, %dma_wait3A_78] : memref<204800x768xf32, #tpu.memory_space<hbm>> -> memref<40x768xf32, #tpu.memory_space<hbm>>
    %dma_wait3A_80 = arith.constant 0 : i32
    %dma_wait3A_81 = tpu.memref_slice %arg4[%mul3A_2, %dma_wait3A_80] : memref<204800x768xf32, #tpu.memory_space<hbm>> -> memref<40x768xf32, #tpu.memory_space<hbm>>
    tpu.wait_dma2 semaphore(%arg16 : memref<!tpu.dma_semaphore, #tpu.memory_space<semaphore_mem>>) src(%arg8 : memref<40x768xf32, #tpu.memory_space<vmem>>) dst(%dma_wait3A_81 : memref<40x768xf32, #tpu.memory_space<hbm>>)
    %dma_wait3A_82 = arith.constant 0 : i32
    %dma_wait3A_83 = tpu.memref_slice %arg4[%mul3A_2, %dma_wait3A_82] : memref<204800x768xf32, #tpu.memory_space<hbm>> -> memref<40x768xf32, #tpu.memory_space<hbm>>
    %dma_wait3A_84 = arith.constant 0 : i32
    %dma_wait3A_85 = tpu.memref_slice %arg4[%mul3A_2, %dma_wait3A_84] : memref<204800x768xf32, #tpu.memory_space<hbm>> -> memref<40x768xf32, #tpu.memory_space<hbm>>
    tpu.wait_dma2 semaphore(%arg17 : memref<!tpu.dma_semaphore, #tpu.memory_space<semaphore_mem>>) src(%arg9 : memref<40x768xf32, #tpu.memory_space<vmem>>) dst(%dma_wait3A_85 : memref<40x768xf32, #tpu.memory_space<hbm>>)
    return
  }
}

</mosaic_0001>

<sc_bundles>
// kernel: kernel.3.cloned.1.call-start
scs
__scs_entry_jumppad:
0x0: {  	(pc) =	sbr.rel $0x88, $3  }
0x1: {  	(tag) =	ssettag $0x0;
	lr =	simm.s32 $0x1  }
0x2: {  	[smem:$0x3F9F] =	sst lr;
	_ =	strace $0xD0000000  }
0x3: {  	_ = 	snop  }
0x4: {  	_ = 	snop  }
0x5: {  	_ = 	snop  }
0x6: {  	_ = 	snop  }
0x7: {  	_ = 	snop  }
__scs_overlays_trampoline_lowered:
0x8: {  	[smem:$0x3FAE] =	sst s0  }
0x9: {  	[smem:$0x3FAF] =	sst s1  }
0xa: {  	[smem:$0x3FB0] =	sst s2  }
0xb: {  	[smem:$0x3FB1] =	sst s3  }
0xc: {  	[smem:$0x3FB2] =	sst s4  }
0xd: {  	[smem:$0x3FB3] =	sst s5  }
0xe: {  	[smem:$0x3FB4] =	sst s6  }
0xf: {  	[smem:$0x3FB5] =	sst s7  }
0x10: {  	[smem:$0x3FB6] =	sst s8  }
0x11: {  	[smem:$0x3FB7] =	sst s9;
	s0 =	simm.s32 @!p0 $0x0  }
0x12: {  	s1 =	sld [smem:$0x3F9D];
	s0 =	simm.s32 @p0 $0x1  }
0x13: {  	[smem:$0x3FB8] =	sst s0;
	s0 =	simm.s32 @!p1 $0x0  }
0x14: {  	s2 =	sld [smem:$0x3F9C];
	s0 =	simm.s32 @p1 $0x1  }
0x15: {  	[smem:$0x3FB9] =	sst s0;
	s0 =	simm.s32 @!p2 $0x0  }
0x16: {  	s3 =	sld [smem:$0x3FDB];
	s0 =	simm.s32 @p2 $0x1  }
0x17: {  	s4 =	simm.s32 $0x1BF5;
	[smem:$0x3FBB] =	sst s0  }
0x18: {  	s0 =	sld [smem:$0x3F9E];
	_ =	swait.ge [sflag:s4], $0x0  }
0x19: {  	s7 =	sld [smem:$0x3F9F]  }
0x1a: {  	s8 =	sadd.s32 $0xFFFFE003, lr  }
0x1b: {  	s9 =	sadd.s32 $0xFFFFFEF7, lr;
	s5 =	simm.s32 $0xFFFFFFFF;
	p2 =	slt.u32 s8, $0xFFFFF086  }
0x1c: {  	p1 =	slt.u32 s9, $0xF7A;
	s5 =	simm.s32 @!p2 $0x0  }
0x1d: {  	s5 =	simm.s32 @p1 $0x1;
	p0 =	seq.s32 s7, s2  }
0x1e: {  	s7 =	smul.u32 @!p0 $0xF7A, s2;
	p2 =	seq.s32 @!p0 s5, $0x0  }
0x1f: {  	s9 =	smul.u32 $0xF7A, s1;
	s8 =	simm.s32 @!p0 $0x1BF5;
	p2 =	por !p2, p0  }
0x20: {  	[sflag:s8] =	ssyncset.s32 @!p0 $0xFFFFF086;
	s6 =	sadd.s32 @!p0 s3, s7;
	s7 =	simm.s32 @!p0 $0x108  }
0x21: {  	s3 =	sadd.s32 s3, s9;
	s6 =	sadd.s32 @!p0 $0x88, s6;
	s7 =	simm.s32 @p2 $0x1082  }
0x22: {  	[simem:s7], [sflag:s8] =	dma.local @!p0 [hbm:s6], $0xF7A  }
0x23: {  	s9 =	sor.u32 $0xD0000000, s2;
	s6 =	simm.s32 $0x108;
	_ =	swait.ge @!p0 [sflag:s8], $0x0  }
0x24: {  	s3 =	sadd.s32 $0x88, s3;
	s6 =	simm.s32 @!p1 $0x1082;
	[sflag:s4] =	ssyncset.s32 $0xFFFFF086  }
0x25: {  	[simem:s6], [sflag:s4] =	dma.local [hbm:s3], $0xF7A  }
0x26: {  	[smem:$0x3F9F] =	sst s1;
	(tag) =	ssettag s2;
	_ =	strace s9  }
0x27: {  	s1 =	sld [smem:$0x3FAF]  }
0x28: {  	s2 =	sld [smem:$0x3FB0]  }
0x29: {  	s4 =	sld [smem:$0x3FB2]  }
0x2a: {  	p0 =	seq.s32 s5, $0x0;
	s5 =	sld [smem:$0x3FB3]  }
0x2b: {  	s6 =	sld [smem:$0x3FB4]  }
0x2c: {  	s7 =	sld [smem:$0x3FB5]  }
0x2d: {  	s3 =	simm.s32 $0x108;
	s8 =	sld [smem:$0x3FB6]  }
0x2e: {  	s3 =	simm.s32 @!p0 $0x1082;
	s9 =	sld [smem:$0x3FB7]  }
0x2f: {  	lr =	sadd.s32 s0, s3;
	s0 =	sld [smem:$0x3FAE]  }
0x30: {  	s3 =	sld [smem:$0x3FB1]  }
0x31: {  	[smem:$0x3FBA] =	sst s10  }
0x32: {  	s10 =	sld [smem:$0x3FB8];
	_ =	sdelay $0x3  }
0x33: {  	p0 =	seq.s32 s10, $0x1;
	s10 =	sld [smem:$0x3FBA];
	_ =	sdelay $0x3  }
0x34: {  	[smem:$0x3FBA] =	sst s10  }
0x35: {  	s10 =	sld [smem:$0x3FB9];
	_ =	sdelay $0x3  }
0x36: {  	p1 =	seq.s32 s10, $0x1;
	s10 =	sld [smem:$0x3FBA];
	_ =	sdelay $0x3  }
0x37: {  	[smem:$0x3FBA] =	sst s10  }
0x38: {  	s10 =	sld [smem:$0x3FBB]  }
0x39: {  	_ = 	snop;
	(pc) =	sbr.ind lr, $3  }
0x3a: {  	_ = 	snop  }
0x3b: {  	_ = 	snop  }
0x3c: {  	p2 =	seq.s32 s10, $0x1;
	s10 =	sld [smem:$0x3FBA]  }
0x3d: {  	_ =	shalt  }
0x3e: {  	_ =	shalt  }
0x3f: {  	_ =	shalt  }
0x40: {  	_ =	shalt  }
0x41: {  	_ =	shalt  }
0x42: {  	_ =	shalt  }
0x43: {  	_ =	shalt  }
0x44: {  	_ =	shalt  }
0x45: {  	_ =	shalt  }
0x46: {  	_ =	shalt  }
0x47: {  	_ =	shalt  }
0x48: {  	_ =	shalt  }
0x49: {  	_ =	shalt  }
0x4a: {  	_ =	shalt  }
0x4b: {  	_ =	shalt  }
0x4c: {  	_ =	shalt  }
0x4d: {  	_ =	shalt  }
0x4e: {  	_ =	shalt  }
0x4f: {  	_ =	shalt  }
0x50: {  	_ =	shalt  }
0x51: {  	_ =	shalt  }
0x52: {  	_ =	shalt  }
0x53: {  	_ =	shalt  }
0x54: {  	_ =	shalt  }
0x55: {  	_ =	shalt  }
0x56: {  	_ =	shalt  }
0x57: {  	_ =	shalt  }
0x58: {  	_ =	shalt  }
0x59: {  	_ =	shalt  }
0x5a: {  	_ =	shalt  }
0x5b: {  	_ =	shalt  }
0x5c: {  	_ =	shalt  }
0x5d: {  	_ =	shalt  }
0x5e: {  	_ =	shalt  }
0x5f: {  	_ =	shalt  }
0x60: {  	_ =	shalt  }
0x61: {  	_ =	shalt  }
0x62: {  	_ =	shalt  }
0x63: {  	_ =	shalt  }
0x64: {  	_ =	shalt  }
0x65: {  	_ =	shalt  }
0x66: {  	_ =	shalt  }
0x67: {  	_ =	shalt  }
0x68: {  	_ =	shalt  }
0x69: {  	_ =	shalt  }
0x6a: {  	_ =	shalt  }
0x6b: {  	_ =	shalt  }
0x6c: {  	_ =	shalt  }
0x6d: {  	_ =	shalt  }
0x6e: {  	_ =	shalt  }
0x6f: {  	_ =	shalt  }
0x70: {  	_ =	shalt  }
0x71: {  	_ =	shalt  }
0x72: {  	_ =	shalt  }
0x73: {  	_ =	shalt  }
0x74: {  	_ =	shalt  }
0x75: {  	_ =	shalt  }
0x76: {  	_ =	shalt  }
0x77: {  	_ =	shalt  }
0x78: {  	_ =	shalt  }
0x79: {  	_ =	shalt  }
0x7a: {  	_ =	shalt  }
0x7b: {  	_ =	shalt  }
0x7c: {  	_ =	shalt  }
0x7d: {  	_ =	shalt  }
0x7e: {  	_ =	shalt  }
0x7f: {  	_ =	shalt  }
0x80: {  	_ =	shalt  }
0x81: {  	_ =	shalt  }
0x82: {  	_ =	shalt  }
0x83: {  	_ =	shalt  }
0x84: {  	_ =	shalt  }
0x85: {  	_ =	shalt  }
0x86: {  	_ =	shalt  }
0x87: {  	_ =	shalt  }
.Lfunc_end0:
.L_simem_size_0:
called_computation_lowered:
.L_overlay_start_0:
0x88: {  	s2 =	sld [smem:$0x3FD9]  }
0x89: {  	s3 =	sld [smem:$0x3FFE];
	_ =	sdelay $0x1  }
0x8a: {  	s1 =	srdreg.scid  }
0x8b: {  	s0 =	sand.u32 $0x1, s1  }
0x8c: {  	s17 =	sshll.u32 s0, $0xA;
	s2 =	sadd.s32 s3, s2  }
0x8d: {  	s2 =	sadd.s32 s2, s17  }
0x8e: {  	[smem:$0x3FC6] =	sst s2  }
0x8f: {  	_ = 	snop  }
0x90: {  	s2 =	sld [smem:$0x3FC8]  }
0x91: {  	s18 =	sld [smem:$0x3FD0];
	(tm) =	ssettm $0x1  }
0x92: {  	s4 =	sld [smem:$0x3FFB];
	_ =	sdelay $0x3  }
0x93: {  	_ =	strace s4  }
0x94: {  	s4 =	sld [smem:$0x3FFC];
	_ =	sdelay $0x3  }
0x95: {  	_ =	strace s4  }
0x96: {  	s4 =	sld [smem:$0x3FFD];
	_ =	sdelay $0x3  }
0x97: {  	_ =	strace s4  }
0x98: {  	_ =	strace $0x8FFFFFFF  }
0x99: {  	s19 =	sld [smem:$0x3FDB];
	_ =	sdelay $0x1  }
0x9a: {  	s5 =	simm.s32 $_scs_section_size  }
0x9b: {  	s6 =	simm.s32 $_size__tile_overlayer_lowered;
	s7 =	simm.s32 $_tile_overlayer_lowered  }
0x9c: {  	s22 =	simm.s32 $0x1BFF;
	s21 =	sshll.u32 s7, $0x1;
	s4 =	sadd.s32 s5, s19  }
0x9d: {  	s8 =	simm.s32 $0x0;
	s20 =	sshll.u32 s6, $0x1;
	s6 =	sadd.s32 s21, s4  }
0x9e: {  	[timem:s8], [sflag:s22] =	dma.local [hbm:s6], s20  }
0x9f: {  	_ =	swait.ge [sflag:s22], s20  }
0xa0: {  	s5 =	ssub.s32 $0x0, s20;
	[sflag:s22] =	ssyncset.done $0x0  }
0xa1: {  	[sflag:s22] =	ssyncadd.s32 s5;
	_ =	sdelay $0x1  }
0xa2: {  	s23 =	simm.s32 $0x1B8B  }
0xa3: {  	_ =	swait.ge [sflag:s23], $0x1  }
0xa4: {  	[sflag:s23] =	ssyncset.done $0x0  }
0xa5: {  	s25 =	simm.s32 $0x1B8E;
	s24 =	sld [smem:$0x3FFE];
	[sflag:s23] =	ssyncadd.s32 $0xFFFFFFFF  }
0xa6: {  	s26 =	simm.s32 $execute0_lowered;
	[smem:$0x3FD2] =	sst s25  }
0xa7: {  	s6 =	sshll.u32 s26, $0x1;
	_ =	strace $0x80000046;
	[dreg:$0x1] =	wrdreg $0xFFFFFFFF  }
0xa8: {  	s28 =	simm.s32 $_size_execute0_lowered;
	s4 =	sadd.s32 s4, s6;
	[dreg:$0x0] =	wrdreg $0x0  }
0xa9: {  	s6 =	sshll.u32 s28, $0x1;
	[dreg:$0x2] =	wrdreg s4  }
0xaa: {  	[dreg:$0x3] =	wrdreg s6  }
0xab: {  	[dreg:$0x4] =	wrdreg $0xC0  }
0xac: {  	_ =	task [dreg:s8], $0x5FFFF  }
0xad: {  	[dreg:$0x1] =	wrdreg $0xFFFFFFFF  }
0xae: {  	[dreg:$0x0] =	wrdreg $0x60  }
0xaf: {  	[dreg:$0x2] =	wrdreg s24  }
0xb0: {  	[dreg:$0x3] =	wrdreg s2  }
0xb1: {  	[dreg:$0x4] =	wrdreg s18  }
0xb2: {  	[dreg:$0x5] =	wrdreg $0x9  }
0xb3: {  	_ =	task.clear_ibuf [dreg:s8], $0x6FFFF;
	_ =	strace $0x90000046  }
0xb4: {  	s29 =	simm.s32 $0x9;
	_ =	strace $0x80000048  }
0xb5: {  	_ =	swait.ge [sflag:s29], $0x1  }
0xb6: {  	[sflag:s29] =	ssyncadd.s32 $0xFFFFFFFF  }
0xb7: {  	_ =	strace $0x90000048  }
0xb8: {  	_ =	sfence  }
0xb9: {  	s30 =	sld [smem:$0x0];
	_ =	sdelay $0x2  }
0xba: {  	s31 =	sshll.u32 s1, $0xD;
	s1 =	sshrl.u32 s1, $0x2  }
0xbb: {  	s3 =	sand.u32 $0x4000, s31;
	s1 =	sadd.s32 s1, s30  }
0xbc: {  	s0 =	sor.u32 s3, s0;
	s1 =	sshll.u32 s1, $0x11  }
0xbd: {  	s0 =	sor.u32 s1, s0  }
0xbe: {  	s0 =	sadd.s32 $0x8F2B, s0  }
0xbf: {  	[sflag:s0] =	ssyncadd.remote.s32 $0x1  }
0xc0: {  	_ =	sfence.sel $0xFFFF  }
0xc1: {  	[dreg:$0x0] =	wrdreg $0xFFFFFFFF;
	(pc) =	sbr.abs _section_cstart, $3  }
0xc2: {  	[dreg:$0x1] =	wrdreg $0xFFFFFFFF  }
0xc3: {  	_ =	task.clear_ibuf [dreg:s8], $0x2FFFF;
	_ =	strace $0x9FFFFFFF  }
0xc4: {  	(tm) =	ssettm $0x7FFFFFFF  }
0xc5: {  	_ =	shalt  }
tec
execute0_lowered:
.L_overlay_start_1:
0x0: {  	(tag) =	ssettag $0x1  }
0x1: {  	s0 =	rddreg [dreg:$0x0]  }
0x2: {  	s1 =	srdreg.scid;
	s2 =	rddreg [dreg:$0x1]  }
0x3: {  	s11 =	stileid.u32;
	s4 =	rddreg [dreg:$0x2]  }
0x4: {  	s29 =	simm.s32 $0x1900;
	s12 =	simm.s32 $0x4900;
	s14 =	simm.s32 $0x5100  }
0x5: {  	s15 =	simm.s32 $0x5900;
	s16 =	simm.s32 $0x6100;
	s13 =	simm.s32 $0x8900  }
0x6: {  	s28 =	simm.s32 $0x5;
	s30 =	simm.s32 $0x6;
	s31 =	simm.s32 $0x7  }
0x7: {  	s1 =	sand.u32 $0x1, s1;
	s3 =	sshll.u32 s11, $0x1;
	s18 =	smul.u32 $0x3200, s11  }
0x8: {  	s5 =	sor.u32 s1, s3;
	s3 =	simm.s32 $0x0;
	s8 =	ssub.s32 $0x2, s1  }
0x9: {  	s7 =	smul.u32 $0x1900, s5;
	[smem:$0x7FF] =	sst s3;
	s17 =	sshrl.u32 s8, $0x1  }
0xa: {  	s1 =	smul.u32 $0x1900, s1;
	_ =	strace $0x80000047;
	s8 =	ssub.s32 s8, s17  }
0xb: {  	s17 =	simm.s32 $0x9100;
	s5 =	sshrl.u32 s7, $0x3;
	s6 =	sadd.s32 $0x1888, s7  }
0xc: {  	s7 =	sadd.s32 $0x18D8, s7;
	s26 =	smax.u32 s8, $0x1;
	s8 =	simm.s32 $0x2100  }
0xd: {  	s9 =	smul.u32 $0x300, s5;
	s6 =	sshrl.u32 s6, $0x3;
	s0 =	sadd.s32 s5, s0  }
0xe: {  	s5 =	sadd.s32 $0x100, s2;
	s7 =	sshrl.u32 s7, $0x3;
	[dreg:$0xd] =	wrdreg s26  }
0xf: {  	s26 =	simm.s32 $0x4;
	s10 =	smul.u32 $0x300, s6;
	s0 =	sadd.s32 $0x400, s0  }
0x10: {  	s6 =	sadd.s32 $0x200, s2;
	s20 =	smul.u32 $0x300, s7;
	[dreg:$0x8] =	wrdreg s0  }
0x11: {  	s9 =	sadd.s32 s4, s9;
	s0 =	sadd.s32 s1, s18;
	s18 =	simm.s32 $0x6900  }
0x12: {  	s19 =	sadd.s32 $0x92400, s9;
	s10 =	sadd.s32 s4, s10;
	s21 =	sshrl.u32 s0, $0x3  }
0x13: {  	s22 =	sor.u32 $0x28, s0;
	s23 =	sor.u32 $0x50, s0;
	s0 =	sor.u32 $0x78, s0  }
0x14: {  	s9 =	sadd.s32 $0x94200, s9;
	s1 =	sadd.s32 s4, s20;
	[dreg:$0x9] =	wrdreg s19  }
0x15: {  	s20 =	simm.s32 $0x7900;
	[dreg:$0xa] =	wrdreg s10;
	s7 =	smul.u32 $0x300, s21  }
0x16: {  	s10 =	sshrl.u32 s22, $0x3;
	s11 =	sshrl.u32 s23, $0x3;
	[dreg:$0xb] =	wrdreg s9  }
0x17: {  	s0 =	sshrl.u32 s0, $0x3;
	[dreg:$0xc] =	wrdreg s1;
	s9 =	simm.s32 $0x3100  }
0x18: {  	s22 =	simm.s32 $0x3900;
	s19 =	simm.s32 $0x7100;
	s10 =	smul.u32 $0x300, s10  }
0x19: {  	s21 =	simm.s32 $0x8100;
	s23 =	simm.s32 $0x1;
	s11 =	smul.u32 $0x300, s11  }
0x1a: {  	s1 =	simm.s32 $0x8;
	s0 =	smul.u32 $0x300, s0;
	s7 =	sadd.s32 s7, s4  }
0x1b: {  	[dreg:$0x4] =	wrdreg s7;
	s24 =	sadd.s32 s10, s4;
	s25 =	sadd.s32 s11, s4  }
0x1c: {  	s0 =	sadd.s32 s0, s4;
	s7 =	simm.s32 $0x2900;
	[dreg:$0x5] =	wrdreg s24  }
0x1d: {  	v2 =	vlaneseq.u32;
	s11 =	simm.s32 $0x4100;
	s10 =	simm.s32 $0x10900;
	[dreg:$0x6] =	wrdreg s25  }
0x1e: {  	vm0 =	vmmov $0xffff;
	v1 =	vshrl.u32 v2, $0x3;
	s4 =	simm.s32 $0x18100;
	[dreg:$0x7] =	wrdreg s0;
	s0 =	simm.s32 $0x0  }
0x1f: {  	v0 =	vand.u32 $0x7, v2;
	v2 =	vor.u32 $0x8, v2;
	v1 =	vmul.u32 $0x8, v1;
	s24 =	simm.s32 $0x2;
	s25 =	simm.s32 $0x3;
	[dreg:$0xe] =	wrdreg s0  }
.LBB2_1:
0x20: {  	s0 =	rddreg [dreg:$0x8]  }
0x21: {  	[tilespmem:s3], [sflag:$0x9] =	stream.linear.gather [hbm4b:s0+s3], $0x1900, $0x38;
	[tilespmem:$0x1F900] =	vst v63  }
0x22: {  	s0 =	simm.s32 $0x9  }
0x23: {  	_ =	swait.ge [sflag:s0], $0x1900  }
0x24: {  	[sflag:s0] =	ssyncset.done $0x0  }
0x25: {  	[sflag:s0] =	ssyncadd.s32 $0xFFFFE700  }
0x26: {  	v3 =	vld [tilespmem:$0x0];
	_ =	sdelay $0x4  }
0x27: {  	v4 =	vshrl.u32 v3, $0x3  }
0x28: {  	v4 =	vmul.u32 $0x30, v4  }
0x29: {  	v3 =	vand.u32 $0x7, v3  }
0x2a: {  	v3 =	vor.u32 v3, v4  }
0x2b: {  	v4 =	vperm.xlane v3, v0;
	_ =	sdelay $0x1  }
0x2c: {  	v4 =	vadd.s32 v1, v4;
	_ =	sdelay $0x3  }
0x2d: {  	v3 =	vperm.xlane v3, v2  }
0x2e: {  	[tilespmem:s29], [sflag:$0x1] =	stream.indirect_vreg.gather [hbm4b:s2+s3], $0x80, v4, vm0, $0xb8;
	[tilespmem:$0x1F900] =	vst v63  }
0x2f: {  	v3 =	vadd.s32 v1, v3  }
0x30: {  	[tilespmem:s8], [sflag:$0x1] =	stream.indirect_vreg.gather [hbm4b:s5+s3], $0x80, v4, vm0, $0xb8;
	[tilespmem:$0x1F900] =	vst v63  }
0x31: {  	_ = 	snop  }
0x32: {  	[tilespmem:s7], [sflag:$0x1] =	stream.indirect_vreg.gather [hbm4b:s6+s3], $0x80, v4, vm0, $0xb8;
	[tilespmem:$0x1F900] =	vst v63  }
0x33: {  	_ = 	snop  }
0x34: {  	[tilespmem:s9], [sflag:$0x1] =	stream.indirect_vreg.gather [hbm4b:s2+s3], $0x80, v3, vm0, $0xb8;
	[tilespmem:$0x1F900] =	vst v63  }
0x35: {  	_ = 	snop  }
0x36: {  	[tilespmem:s22], [sflag:$0x1] =	stream.indirect_vreg.gather [hbm4b:s5+s3], $0x80, v3, vm0, $0xb8;
	[tilespmem:$0x1F900] =	vst v63  }
0x37: {  	_ = 	snop  }
0x38: {  	[tilespmem:s11], [sflag:$0x1] =	stream.indirect_vreg.gather [hbm4b:s6+s3], $0x80, v3, vm0, $0xb8;
	[tilespmem:$0x1F900] =	vst v63  }
0x39: {  	v3 =	vld [tilespmem:$0x10];
	_ =	sdelay $0x4  }
0x3a: {  	v53 =	vshrl.u32 v3, $0x3  }
0x3b: {  	v4 =	vmul.u32 $0x30, v53  }
0x3c: {  	v3 =	vand.u32 $0x7, v3  }
0x3d: {  	v3 =	vor.u32 v3, v4  }
0x3e: {  	v4 =	vperm.xlane v3, v0;
	_ =	sdelay $0x1  }
0x3f: {  	v4 =	vadd.s32 v1, v4;
	_ =	sdelay $0x3  }
0x40: {  	v3 =	vperm.xlane v3, v2  }
0x41: {  	[tilespmem:s12], [sflag:$0x1] =	stream.indirect_vreg.gather [hbm4b:s2+s3], $0x80, v4, vm0, $0xb8;
	[tilespmem:$0x1F900] =	vst v63  }
0x42: {  	v3 =	vadd.s32 v1, v3  }
0x43: {  	[tilespmem:s14], [sflag:$0x1] =	stream.indirect_vreg.gather [hbm4b:s5+s3], $0x80, v4, vm0, $0xb8;
	[tilespmem:$0x1F900] =	vst v63  }
0x44: {  	_ = 	snop  }
0x45: {  	[tilespmem:s15], [sflag:$0x1] =	stream.indirect_vreg.gather [hbm4b:s6+s3], $0x80, v4, vm0, $0xb8;
	[tilespmem:$0x1F900] =	vst v63  }
0x46: {  	_ = 	snop  }
0x47: {  	[tilespmem:s16], [sflag:$0x1] =	stream.indirect_vreg.gather [hbm4b:s2+s3], $0x80, v3, vm0, $0xb8;
	[tilespmem:$0x1F900] =	vst v63  }
0x48: {  	_ = 	snop  }
0x49: {  	[tilespmem:s18], [sflag:$0x1] =	stream.indirect_vreg.gather [hbm4b:s5+s3], $0x80, v3, vm0, $0xb8;
	[tilespmem:$0x1F900] =	vst v63  }
0x4a: {  	_ = 	snop  }
0x4b: {  	[tilespmem:s19], [sflag:$0x1] =	stream.indirect_vreg.gather [hbm4b:s6+s3], $0x80, v3, vm0, $0xb8;
	[tilespmem:$0x1F900] =	vst v63  }
0x4c: {  	v3 =	vld.msk [tilespmem:$0x20], $0xff;
	_ =	sdelay $0x4  }
0x4d: {  	v54 =	vshrl.u32 v3, $0x3  }
0x4e: {  	v4 =	vmul.u32 $0x30, v54  }
0x4f: {  	v3 =	vand.u32 $0x7, v3  }
0x50: {  	v3 =	vor.u32 v3, v4  }
0x51: {  	v3 =	vperm.xlane v3, v0;
	_ =	sdelay $0x1  }
0x52: {  	v3 =	vadd.s32 v1, v3;
	_ =	sdelay $0x4  }
0x53: {  	[tilespmem:s20], [sflag:$0x1] =	stream.indirect_vreg.gather [hbm4b:s2+s3], $0x80, v3, vm0, $0xb8;
	[tilespmem:$0x1F900] =	vst v63  }
0x54: {  	_ = 	snop  }
0x55: {  	[tilespmem:s21], [sflag:$0x1] =	stream.indirect_vreg.gather [hbm4b:s5+s3], $0x80, v3, vm0, $0xb8;
	[tilespmem:$0x1F900] =	vst v63  }
0x56: {  	_ = 	snop  }
0x57: {  	[tilespmem:s13], [sflag:$0x1] =	stream.indirect_vreg.gather [hbm4b:s6+s3], $0x80, v3, vm0, $0xb8;
	[tilespmem:$0x1F900] =	vst v63  }
0x58: {  	v3 =	vld [tilespmem:$0x28];
	_ =	sdelay $0x4  }
0x59: {  	v55 =	vshrl.u32 v3, $0x3  }
0x5a: {  	v4 =	vmul.u32 $0x30, v55  }
0x5b: {  	v3 =	vand.u32 $0x7, v3  }
0x5c: {  	v3 =	vor.u32 v3, v4  }
0x5d: {  	v4 =	vperm.xlane v3, v0;
	_ =	sdelay $0x1  }
0x5e: {  	v4 =	vadd.s32 v1, v4;
	_ =	sdelay $0x3  }
0x5f: {  	v3 =	vperm.xlane v3, v2  }
0x60: {  	[tilespmem:s17], [sflag:$0x2] =	stream.indirect_vreg.gather [hbm4b:s2+s3], $0x80, v4, vm0, $0xb8;
	[tilespmem:$0x1F900] =	vst v63  }
0x61: {  	s18 =	simm.s32 $0x9900;
	v3 =	vadd.s32 v1, v3  }
0x62: {  	[tilespmem:s18], [sflag:$0x2] =	stream.indirect_vreg.gather [hbm4b:s5+s3], $0x80, v4, vm0, $0xb8;
	[tilespmem:$0x1F900] =	vst v63  }
0x63: {  	s19 =	simm.s32 $0xA100  }
0x64: {  	[tilespmem:s19], [sflag:$0x2] =	stream.indirect_vreg.gather [hbm4b:s6+s3], $0x80, v4, vm0, $0xb8;
	[tilespmem:$0x1F900] =	vst v63  }
0x65: {  	s20 =	simm.s32 $0xA900  }
0x66: {  	[tilespmem:s20], [sflag:$0x2] =	stream.indirect_vreg.gather [hbm4b:s2+s3], $0x80, v3, vm0, $0xb8;
	[tilespmem:$0x1F900] =	vst v63  }
0x67: {  	s21 =	simm.s32 $0xB100  }
0x68: {  	[tilespmem:s21], [sflag:$0x2] =	stream.indirect_vreg.gather [hbm4b:s5+s3], $0x80, v3, vm0, $0xb8;
	[tilespmem:$0x1F900] =	vst v63  }
0x69: {  	s22 =	simm.s32 $0xB900  }
0x6a: {  	[tilespmem:s22], [sflag:$0x2] =	stream.indirect_vreg.gather [hbm4b:s6+s3], $0x80, v3, vm0, $0xb8;
	[tilespmem:$0x1F900] =	vst v63  }
0x6b: {  	v3 =	vld [tilespmem:$0x38];
	_ =	sdelay $0x4  }
0x6c: {  	v56 =	vshrl.u32 v3, $0x3  }
0x6d: {  	v4 =	vmul.u32 $0x30, v56  }
0x6e: {  	v3 =	vand.u32 $0x7, v3  }
0x6f: {  	v3 =	vor.u32 v3, v4  }
0x70: {  	v4 =	vperm.xlane v3, v0;
	_ =	sdelay $0x1  }
0x71: {  	v4 =	vadd.s32 v1, v4;
	_ =	sdelay $0x3  }
0x72: {  	s29 =	simm.s32 $0xC100;
	v3 =	vperm.xlane v3, v2  }
0x73: {  	[tilespmem:s29], [sflag:$0x2] =	stream.indirect_vreg.gather [hbm4b:s2+s3], $0x80, v4, vm0, $0xb8;
	[tilespmem:$0x1F900] =	vst v63  }
0x74: {  	s7 =	simm.s32 $0xC900;
	v3 =	vadd.s32 v1, v3  }
0x75: {  	[tilespmem:s7], [sflag:$0x2] =	stream.indirect_vreg.gather [hbm4b:s5+s3], $0x80, v4, vm0, $0xb8;
	[tilespmem:$0x1F900] =	vst v63  }
0x76: {  	s8 =	simm.s32 $0xD100  }
0x77: {  	[tilespmem:s8], [sflag:$0x2] =	stream.indirect_vreg.gather [hbm4b:s6+s3], $0x80, v4, vm0, $0xb8;
	[tilespmem:$0x1F900] =	vst v63  }
0x78: {  	s9 =	simm.s32 $0xD900  }
0x79: {  	[tilespmem:s9], [sflag:$0x2] =	stream.indirect_vreg.gather [hbm4b:s2+s3], $0x80, v3, vm0, $0xb8;
	[tilespmem:$0x1F900] =	vst v63  }
0x7a: {  	s11 =	simm.s32 $0xE100  }
0x7b: {  	[tilespmem:s11], [sflag:$0x2] =	stream.indirect_vreg.gather [hbm4b:s5+s3], $0x80, v3, vm0, $0xb8;
	[tilespmem:$0x1F900] =	vst v63  }
0x7c: {  	s12 =	simm.s32 $0xE900  }
0x7d: {  	[tilespmem:s12], [sflag:$0x2] =	stream.indirect_vreg.gather [hbm4b:s6+s3], $0x80, v3, vm0, $0xb8;
	[tilespmem:$0x1F900] =	vst v63  }
0x7e: {  	v3 =	vld.msk [tilespmem:$0x48], $0xff;
	_ =	sdelay $0x4  }
0x7f: {  	v57 =	vshrl.u32 v3, $0x3  }
0x80: {  	v4 =	vmul.u32 $0x30, v57  }
0x81: {  	v3 =	vand.u32 $0x7, v3  }
0x82: {  	v3 =	vor.u32 v3, v4  }
0x83: {  	v3 =	vperm.xlane v3, v0;
	_ =	sdelay $0x1  }
0x84: {  	v3 =	vadd.s32 v1, v3;
	_ =	sdelay $0x3  }
0x85: {  	s13 =	simm.s32 $0xF100  }
0x86: {  	[tilespmem:s13], [sflag:$0x2] =	stream.indirect_vreg.gather [hbm4b:s2+s3], $0x80, v3, vm0, $0xb8;
	[tilespmem:$0x1F900] =	vst v63  }
0x87: {  	s14 =	simm.s32 $0xF900  }
0x88: {  	[tilespmem:s14], [sflag:$0x2] =	stream.indirect_vreg.gather [hbm4b:s5+s3], $0x80, v3, vm0, $0xb8;
	[tilespmem:$0x1F900] =	vst v63  }
0x89: {  	s15 =	simm.s32 $0x10100  }
0x8a: {  	[tilespmem:s15], [sflag:$0x2] =	stream.indirect_vreg.gather [hbm4b:s6+s3], $0x80, v3, vm0, $0xb8;
	[tilespmem:$0x1F900] =	vst v63  }
0x8b: {  	v3 =	vld [tilespmem:$0x50];
	_ =	sdelay $0x4  }
0x8c: {  	v58 =	vshrl.u32 v3, $0x3  }
0x8d: {  	v4 =	vmul.u32 $0x30, v58  }
0x8e: {  	v3 =	vand.u32 $0x7, v3  }
0x8f: {  	v3 =	vor.u32 v3, v4  }
0x90: {  	v4 =	vperm.xlane v3, v0;
	_ =	sdelay $0x1  }
0x91: {  	v4 =	vadd.s32 v1, v4;
	_ =	sdelay $0x3  }
0x92: {  	v3 =	vperm.xlane v3, v2  }
0x93: {  	[tilespmem:s10], [sflag:$0x3] =	stream.indirect_vreg.gather [hbm4b:s2+s3], $0x80, v4, vm0, $0xb8;
	[tilespmem:$0x1F900] =	vst v63  }
0x94: {  	s16 =	simm.s32 $0x11100;
	v3 =	vadd.s32 v1, v3  }
0x95: {  	[tilespmem:s16], [sflag:$0x3] =	stream.indirect_vreg.gather [hbm4b:s5+s3], $0x80, v4, vm0, $0xb8;
	[tilespmem:$0x1F900] =	vst v63  }
0x96: {  	s17 =	simm.s32 $0x11900  }
0x97: {  	[tilespmem:s17], [sflag:$0x3] =	stream.indirect_vreg.gather [hbm4b:s6+s3], $0x80, v4, vm0, $0xb8;
	[tilespmem:$0x1F900] =	vst v63  }
0x98: {  	s18 =	simm.s32 $0x12100  }
0x99: {  	[tilespmem:s18], [sflag:$0x3] =	stream.indirect_vreg.gather [hbm4b:s2+s3], $0x80, v3, vm0, $0xb8;
	[tilespmem:$0x1F900] =	vst v63  }
0x9a: {  	s19 =	simm.s32 $0x12900  }
0x9b: {  	[tilespmem:s19], [sflag:$0x3] =	stream.indirect_vreg.gather [hbm4b:s5+s3], $0x80, v3, vm0, $0xb8;
	[tilespmem:$0x1F900] =	vst v63  }
0x9c: {  	s20 =	simm.s32 $0x13100  }
0x9d: {  	[tilespmem:s20], [sflag:$0x3] =	stream.indirect_vreg.gather [hbm4b:s6+s3], $0x80, v3, vm0, $0xb8;
	[tilespmem:$0x1F900] =	vst v63  }
0x9e: {  	v3 =	vld [tilespmem:$0x60];
	_ =	sdelay $0x4  }
0x9f: {  	v59 =	vshrl.u32 v3, $0x3  }
0xa0: {  	v4 =	vmul.u32 $0x30, v59  }
0xa1: {  	v3 =	vand.u32 $0x7, v3  }
0xa2: {  	v3 =	vor.u32 v3, v4  }
0xa3: {  	v4 =	vperm.xlane v3, v0;
	_ =	sdelay $0x1  }
0xa4: {  	v4 =	vadd.s32 v1, v4;
	_ =	sdelay $0x3  }
0xa5: {  	s21 =	simm.s32 $0x13900;
	v3 =	vperm.xlane v3, v2  }
0xa6: {  	[tilespmem:s21], [sflag:$0x3] =	stream.indirect_vreg.gather [hbm4b:s2+s3], $0x80, v4, vm0, $0xb8;
	[tilespmem:$0x1F900] =	vst v63  }
0xa7: {  	s22 =	simm.s32 $0x14100;
	v3 =	vadd.s32 v1, v3  }
0xa8: {  	[tilespmem:s22], [sflag:$0x3] =	stream.indirect_vreg.gather [hbm4b:s5+s3], $0x80, v4, vm0, $0xb8;
	[tilespmem:$0x1F900] =	vst v63  }
0xa9: {  	s29 =	simm.s32 $0x14900  }
0xaa: {  	[tilespmem:s29], [sflag:$0x3] =	stream.indirect_vreg.gather [hbm4b:s6+s3], $0x80, v4, vm0, $0xb8;
	[tilespmem:$0x1F900] =	vst v63  }
0xab: {  	s7 =	simm.s32 $0x15100  }
0xac: {  	[tilespmem:s7], [sflag:$0x3] =	stream.indirect_vreg.gather [hbm4b:s2+s3], $0x80, v3, vm0, $0xb8;
	[tilespmem:$0x1F900] =	vst v63  }
0xad: {  	s8 =	simm.s32 $0x15900  }
0xae: {  	[tilespmem:s8], [sflag:$0x3] =	stream.indirect_vreg.gather [hbm4b:s5+s3], $0x80, v3, vm0, $0xb8;
	[tilespmem:$0x1F900] =	vst v63  }
0xaf: {  	s9 =	simm.s32 $0x16100  }
0xb0: {  	[tilespmem:s9], [sflag:$0x3] =	stream.indirect_vreg.gather [hbm4b:s6+s3], $0x80, v3, vm0, $0xb8;
	[tilespmem:$0x1F900] =	vst v63  }
0xb1: {  	v3 =	vld.msk [tilespmem:$0x70], $0xff;
	_ =	sdelay $0x4  }
0xb2: {  	v60 =	vshrl.u32 v3, $0x3  }
0xb3: {  	v4 =	vmul.u32 $0x30, v60  }
0xb4: {  	v3 =	vand.u32 $0x7, v3  }
0xb5: {  	v3 =	vor.u32 v3, v4  }
0xb6: {  	v3 =	vperm.xlane v3, v0;
	_ =	sdelay $0x1  }
0xb7: {  	v3 =	vadd.s32 v1, v3;
	_ =	sdelay $0x3  }
0xb8: {  	s10 =	simm.s32 $0x16900  }
0xb9: {  	[tilespmem:s10], [sflag:$0x3] =	stream.indirect_vreg.gather [hbm4b:s2+s3], $0x80, v3, vm0, $0xb8;
	[tilespmem:$0x1F900] =	vst v63  }
0xba: {  	s11 =	simm.s32 $0x17100  }
0xbb: {  	[tilespmem:s11], [sflag:$0x3] =	stream.indirect_vreg.gather [hbm4b:s5+s3], $0x80, v3, vm0, $0xb8;
	[tilespmem:$0x1F900] =	vst v63  }
0xbc: {  	s12 =	simm.s32 $0x17900  }
0xbd: {  	[tilespmem:s12], [sflag:$0x3] =	stream.indirect_vreg.gather [hbm4b:s6+s3], $0x80, v3, vm0, $0xb8;
	[tilespmem:$0x1F900] =	vst v63  }
0xbe: {  	v3 =	vld [tilespmem:$0x78];
	_ =	sdelay $0x4  }
0xbf: {  	v61 =	vshrl.u32 v3, $0x3  }
0xc0: {  	v4 =	vmul.u32 $0x30, v61  }
0xc1: {  	v3 =	vand.u32 $0x7, v3  }
0xc2: {  	v3 =	vor.u32 v3, v4  }
0xc3: {  	v4 =	vperm.xlane v3, v0;
	_ =	sdelay $0x1  }
0xc4: {  	v4 =	vadd.s32 v1, v4;
	_ =	sdelay $0x3  }
0xc5: {  	v3 =	vperm.xlane v3, v2  }
0xc6: {  	[tilespmem:s4], [sflag:$0x4] =	stream.indirect_vreg.gather [hbm4b:s2+s3], $0x80, v4, vm0, $0xb8;
	[tilespmem:$0x1F900] =	vst v63  }
0xc7: {  	s13 =	simm.s32 $0x18900;
	v3 =	vadd.s32 v1, v3  }
0xc8: {  	[tilespmem:s13], [sflag:$0x4] =	stream.indirect_vreg.gather [hbm4b:s5+s3], $0x80, v4, vm0, $0xb8;
	[tilespmem:$0x1F900] =	vst v63  }
0xc9: {  	s14 =	simm.s32 $0x19100  }
0xca: {  	[tilespmem:s14], [sflag:$0x4] =	stream.indirect_vreg.gather [hbm4b:s6+s3], $0x80, v4, vm0, $0xb8;
	[tilespmem:$0x1F900] =	vst v63  }
0xcb: {  	s15 =	simm.s32 $0x19900  }
0xcc: {  	[tilespmem:s15], [sflag:$0x4] =	stream.indirect_vreg.gather [hbm4b:s2+s3], $0x80, v3, vm0, $0xb8;
	[tilespmem:$0x1F900] =	vst v63  }
0xcd: {  	s16 =	simm.s32 $0x1A100  }
0xce: {  	[tilespmem:s16], [sflag:$0x4] =	stream.indirect_vreg.gather [hbm4b:s5+s3], $0x80, v3, vm0, $0xb8;
	[tilespmem:$0x1F900] =	vst v63  }
0xcf: {  	s17 =	simm.s32 $0x1A900  }
0xd0: {  	[tilespmem:s17], [sflag:$0x4] =	stream.indirect_vreg.gather [hbm4b:s6+s3], $0x80, v3, vm0, $0xb8;
	[tilespmem:$0x1F900] =	vst v63  }
0xd1: {  	v3 =	vld [tilespmem:$0x88];
	_ =	sdelay $0x4  }
0xd2: {  	v62 =	vshrl.u32 v3, $0x3  }
0xd3: {  	v4 =	vmul.u32 $0x30, v62  }
0xd4: {  	v3 =	vand.u32 $0x7, v3  }
0xd5: {  	v3 =	vor.u32 v3, v4  }
0xd6: {  	v4 =	vperm.xlane v3, v0;
	_ =	sdelay $0x1  }
0xd7: {  	v4 =	vadd.s32 v1, v4;
	_ =	sdelay $0x3  }
0xd8: {  	s18 =	simm.s32 $0x1B100;
	v3 =	vperm.xlane v3, v2  }
0xd9: {  	[tilespmem:s18], [sflag:$0x4] =	stream.indirect_vreg.gather [hbm4b:s2+s3], $0x80, v4, vm0, $0xb8;
	[tilespmem:$0x1F900] =	vst v63  }
0xda: {  	s19 =	simm.s32 $0x1B900;
	v3 =	vadd.s32 v1, v3  }
0xdb: {  	[tilespmem:s19], [sflag:$0x4] =	stream.indirect_vreg.gather [hbm4b:s5+s3], $0x80, v4, vm0, $0xb8;
	[tilespmem:$0x1F900] =	vst v63  }
0xdc: {  	s20 =	simm.s32 $0x1C100  }
0xdd: {  	[tilespmem:s20], [sflag:$0x4] =	stream.indirect_vreg.gather [hbm4b:s6+s3], $0x80, v4, vm0, $0xb8;
	[tilespmem:$0x1F900] =	vst v63  }
0xde: {  	s21 =	simm.s32 $0x1C900  }
0xdf: {  	[tilespmem:s21], [sflag:$0x4] =	stream.indirect_vreg.gather [hbm4b:s2+s3], $0x80, v3, vm0, $0xb8;
	[tilespmem:$0x1F900] =	vst v63  }
0xe0: {  	s22 =	simm.s32 $0x1D100  }
0xe1: {  	[tilespmem:s22], [sflag:$0x4] =	stream.indirect_vreg.gather [hbm4b:s5+s3], $0x80, v3, vm0, $0xb8;
	[tilespmem:$0x1F900] =	vst v63  }
0xe2: {  	s29 =	simm.s32 $0x1D900  }
0xe3: {  	[tilespmem:s29], [sflag:$0x4] =	stream.indirect_vreg.gather [hbm4b:s6+s3], $0x80, v3, vm0, $0xb8;
	[tilespmem:$0x1F900] =	vst v63  }
0xe4: {  	v3 =	vld.msk [tilespmem:$0x98], $0xff;
	_ =	sdelay $0x4  }
0xe5: {  	v63 =	vshrl.u32 v3, $0x3  }
0xe6: {  	v4 =	vmul.u32 $0x30, v63  }
0xe7: {  	v3 =	vand.u32 $0x7, v3  }
0xe8: {  	v3 =	vor.u32 v3, v4  }
0xe9: {  	v3 =	vperm.xlane v3, v0;
	_ =	sdelay $0x1  }
0xea: {  	v3 =	vadd.s32 v1, v3;
	_ =	sdelay $0x1  }
0xeb: {  	s0 =	simm.s32 $0x138  }
0xec: {  	s7 =	simm.s32 $0x0;
	s9 =	simm.s32 $0x2900;
	s11 =	simm.s32 $0x3900  }
0xed: {  	s12 =	simm.s32 $0x9900;
	s13 =	simm.s32 $0x8900;
	s18 =	simm.s32 $0x1E100  }
0xee: {  	[tilespmem:s18], [sflag:$0x4] =	stream.indirect_vreg.gather [hbm4b:s2+s3], $0x80, v3, vm0, $0xb8;
	[tilespmem:$0x1F900] =	vst v63  }
0xef: {  	s14 =	simm.s32 $0x4900;
	s16 =	simm.s32 $0x5900;
	s20 =	simm.s32 $0x1E900  }
0xf0: {  	[tilespmem:s20], [sflag:$0x4] =	stream.indirect_vreg.gather [hbm4b:s5+s3], $0x80, v3, vm0, $0xb8;
	[tilespmem:$0x1F900] =	vst v63  }
0xf1: {  	s19 =	simm.s32 $0x6900;
	s21 =	simm.s32 $0x7900;
	s22 =	simm.s32 $0x1F100  }
0xf2: {  	[tilespmem:s22], [sflag:$0x4] =	stream.indirect_vreg.gather [hbm4b:s6+s3], $0x80, v3, vm0, $0xb8;
	[tilespmem:$0x1F900] =	vst v63  }
.LBB2_2:
0xf3: {  	_ =	swait.ge [sflag:s23], $0x7800  }
0xf4: {  	s8 =	rddreg [dreg:$0x4];
	[sflag:s23] =	ssyncset.done $0x0  }
0xf5: {  	s17 =	simm.s32 $0x1900;
	[sflag:s23] =	ssyncadd.s32 $0xFFFF8800;
	s8 =	sadd.s32 s7, s8  }
0xf6: {  	[hbm4b:s8+s3] =	stream.linear.scatter [tilespmem:s17], [sflag:$0x5], $0x7800, $0x38;
	[tilespmem:$0x1F900] =	vst v63  }
0xf7: {  	_ =	swait.ge [sflag:s24], $0x7800  }
0xf8: {  	s10 =	rddreg [dreg:$0x5];
	[sflag:s24] =	ssyncset.done $0x0  }
0xf9: {  	[sflag:s24] =	ssyncadd.s32 $0xFFFF8800;
	s8 =	sadd.s32 s7, s10;
	s10 =	simm.s32 $0x9100  }
0xfa: {  	[hbm4b:s8+s3] =	stream.linear.scatter [tilespmem:s10], [sflag:$0x6], $0x7800, $0x38;
	[tilespmem:$0x1F900] =	vst v63  }
0xfb: {  	_ =	swait.ge [sflag:s25], $0x7800  }
0xfc: {  	s15 =	rddreg [dreg:$0x6];
	[sflag:s25] =	ssyncset.done $0x0  }
0xfd: {  	[sflag:s25] =	ssyncadd.s32 $0xFFFF8800;
	s8 =	sadd.s32 s7, s15;
	s15 =	simm.s32 $0x10900  }
0xfe: {  	[hbm4b:s8+s3] =	stream.linear.scatter [tilespmem:s15], [sflag:$0x7], $0x7800, $0x38;
	[tilespmem:$0x1F900] =	vst v63  }
0xff: {  	_ =	swait.ge [sflag:s26], $0x7800  }
0x100: {  	s8 =	rddreg [dreg:$0x7];
	[sflag:s26] =	ssyncset.done $0x0  }
0x101: {  	[sflag:s26] =	ssyncadd.s32 $0xFFFF8800;
	s8 =	sadd.s32 s7, s8  }
0x102: {  	[hbm4b:s8+s3] =	stream.linear.scatter [tilespmem:s4], [sflag:$0x8], $0x7800, $0x38;
	[tilespmem:$0x1F900] =	vst v63  }
0x103: {  	_ =	swait.ge [sflag:s28], $0x7800  }
0x104: {  	[sflag:s28] =	ssyncset.done $0x0  }
0x105: {  	[sflag:s28] =	ssyncadd.s32 $0xFFFF8800  }
0x106: {  	v3 =	vld [tilespmem:s0+$0xFFFFFF68];
	_ =	sdelay $0x4  }
0x107: {  	v4 =	vshrl.u32 v3, $0x3  }
0x108: {  	v4 =	vmul.u32 $0x30, v4  }
0x109: {  	v3 =	vand.u32 $0x7, v3  }
0x10a: {  	v3 =	vor.u32 v3, v4  }
0x10b: {  	v4 =	vperm.xlane v3, v0;
	_ =	sdelay $0x1  }
0x10c: {  	v4 =	vadd.s32 v1, v4;
	_ =	sdelay $0x3  }
0x10d: {  	v3 =	vperm.xlane v3, v2  }
0x10e: {  	[tilespmem:s17], [sflag:$0x1] =	stream.indirect_vreg.gather [hbm4b:s2+s3], $0x80, v4, vm0, $0xb8;
	[tilespmem:$0x1F900] =	vst v63  }
0x10f: {  	s8 =	simm.s32 $0x2100;
	v3 =	vadd.s32 v1, v3  }
0x110: {  	[tilespmem:s8], [sflag:$0x1] =	stream.indirect_vreg.gather [hbm4b:s5+s3], $0x80, v4, vm0, $0xb8;
	[tilespmem:$0x1F900] =	vst v63  }
0x111: {  	_ = 	snop  }
0x112: {  	[tilespmem:s9], [sflag:$0x1] =	stream.indirect_vreg.gather [hbm4b:s6+s3], $0x80, v4, vm0, $0xb8;
	[tilespmem:$0x1F900] =	vst v63  }
0x113: {  	s17 =	simm.s32 $0x3100  }
0x114: {  	[tilespmem:s17], [sflag:$0x1] =	stream.indirect_vreg.gather [hbm4b:s2+s3], $0x80, v3, vm0, $0xb8;
	[tilespmem:$0x1F900] =	vst v63  }
0x115: {  	_ = 	snop  }
0x116: {  	[tilespmem:s11], [sflag:$0x1] =	stream.indirect_vreg.gather [hbm4b:s5+s3], $0x80, v3, vm0, $0xb8;
	[tilespmem:$0x1F900] =	vst v63  }
0x117: {  	s17 =	simm.s32 $0x4100  }
0x118: {  	[tilespmem:s17], [sflag:$0x1] =	stream.indirect_vreg.gather [hbm4b:s6+s3], $0x80, v3, vm0, $0xb8;
	[tilespmem:$0x1F900] =	vst v63  }
0x119: {  	v3 =	vld [tilespmem:s0+$0xFFFFFF78];
	_ =	sdelay $0x4  }
0x11a: {  	v53 =	vshrl.u32 v3, $0x3  }
0x11b: {  	v4 =	vmul.u32 $0x30, v53  }
0x11c: {  	v3 =	vand.u32 $0x7, v3  }
0x11d: {  	v3 =	vor.u32 v3, v4  }
0x11e: {  	v4 =	vperm.xlane v3, v0;
	_ =	sdelay $0x1  }
0x11f: {  	v4 =	vadd.s32 v1, v4;
	_ =	sdelay $0x3  }
0x120: {  	v3 =	vperm.xlane v3, v2  }
0x121: {  	[tilespmem:s14], [sflag:$0x1] =	stream.indirect_vreg.gather [hbm4b:s2+s3], $0x80, v4, vm0, $0xb8;
	[tilespmem:$0x1F900] =	vst v63  }
0x122: {  	s17 =	simm.s32 $0x5100;
	v3 =	vadd.s32 v1, v3  }
0x123: {  	[tilespmem:s17], [sflag:$0x1] =	stream.indirect_vreg.gather [hbm4b:s5+s3], $0x80, v4, vm0, $0xb8;
	[tilespmem:$0x1F900] =	vst v63  }
0x124: {  	_ = 	snop  }
0x125: {  	[tilespmem:s16], [sflag:$0x1] =	stream.indirect_vreg.gather [hbm4b:s6+s3], $0x80, v4, vm0, $0xb8;
	[tilespmem:$0x1F900] =	vst v63  }
0x126: {  	s17 =	simm.s32 $0x6100  }
0x127: {  	[tilespmem:s17], [sflag:$0x1] =	stream.indirect_vreg.gather [hbm4b:s2+s3], $0x80, v3, vm0, $0xb8;
	[tilespmem:$0x1F900] =	vst v63  }
0x128: {  	_ = 	snop  }
0x129: {  	[tilespmem:s19], [sflag:$0x1] =	stream.indirect_vreg.gather [hbm4b:s5+s3], $0x80, v3, vm0, $0xb8;
	[tilespmem:$0x1F900] =	vst v63  }
0x12a: {  	s17 =	simm.s32 $0x7100  }
0x12b: {  	[tilespmem:s17], [sflag:$0x1] =	stream.indirect_vreg.gather [hbm4b:s6+s3], $0x80, v3, vm0, $0xb8;
	[tilespmem:$0x1F900] =	vst v63  }
0x12c: {  	v3 =	vld.msk [tilespmem:s0+$0xFFFFFF88], $0xff;
	_ =	sdelay $0x4  }
0x12d: {  	v54 =	vshrl.u32 v3, $0x3  }
0x12e: {  	v4 =	vmul.u32 $0x30, v54  }
0x12f: {  	v3 =	vand.u32 $0x7, v3  }
0x130: {  	v3 =	vor.u32 v3, v4  }
0x131: {  	v3 =	vperm.xlane v3, v0;
	_ =	sdelay $0x1  }
0x132: {  	v3 =	vadd.s32 v1, v3;
	_ =	sdelay $0x4  }
0x133: {  	[tilespmem:s21], [sflag:$0x1] =	stream.indirect_vreg.gather [hbm4b:s2+s3], $0x80, v3, vm0, $0xb8;
	[tilespmem:$0x1F900] =	vst v63  }
0x134: {  	s17 =	simm.s32 $0x8100  }
0x135: {  	[tilespmem:s17], [sflag:$0x1] =	stream.indirect_vreg.gather [hbm4b:s5+s3], $0x80, v3, vm0, $0xb8;
	[tilespmem:$0x1F900] =	vst v63  }
0x136: {  	_ = 	snop  }
0x137: {  	[tilespmem:s13], [sflag:$0x1] =	stream.indirect_vreg.gather [hbm4b:s6+s3], $0x80, v3, vm0, $0xb8;
	[tilespmem:$0x1F900] =	vst v63  }
0x138: {  	_ =	swait.ge [sflag:s30], $0x7800  }
0x139: {  	[sflag:s30] =	ssyncset.done $0x0  }
0x13a: {  	[sflag:s30] =	ssyncadd.s32 $0xFFFF8800  }
0x13b: {  	v3 =	vld [tilespmem:s0+$0xFFFFFF90];
	_ =	sdelay $0x4  }
0x13c: {  	v55 =	vshrl.u32 v3, $0x3  }
0x13d: {  	v4 =	vmul.u32 $0x30, v55  }
0x13e: {  	v3 =	vand.u32 $0x7, v3  }
0x13f: {  	v3 =	vor.u32 v3, v4  }
0x140: {  	v4 =	vperm.xlane v3, v0;
	_ =	sdelay $0x1  }
0x141: {  	v4 =	vadd.s32 v1, v4;
	_ =	sdelay $0x3  }
0x142: {  	v3 =	vperm.xlane v3, v2  }
0x143: {  	[tilespmem:s10], [sflag:$0x2] =	stream.indirect_vreg.gather [hbm4b:s2+s3], $0x80, v4, vm0, $0xb8;
	[tilespmem:$0x1F900] =	vst v63  }
0x144: {  	v3 =	vadd.s32 v1, v3  }
0x145: {  	[tilespmem:s12], [sflag:$0x2] =	stream.indirect_vreg.gather [hbm4b:s5+s3], $0x80, v4, vm0, $0xb8;
	[tilespmem:$0x1F900] =	vst v63  }
0x146: {  	s10 =	simm.s32 $0xA100  }
0x147: {  	[tilespmem:s10], [sflag:$0x2] =	stream.indirect_vreg.gather [hbm4b:s6+s3], $0x80, v4, vm0, $0xb8;
	[tilespmem:$0x1F900] =	vst v63  }
0x148: {  	s10 =	simm.s32 $0xA900  }
0x149: {  	[tilespmem:s10], [sflag:$0x2] =	stream.indirect_vreg.gather [hbm4b:s2+s3], $0x80, v3, vm0, $0xb8;
	[tilespmem:$0x1F900] =	vst v63  }
0x14a: {  	s10 =	simm.s32 $0xB100  }
0x14b: {  	[tilespmem:s10], [sflag:$0x2] =	stream.indirect_vreg.gather [hbm4b:s5+s3], $0x80, v3, vm0, $0xb8;
	[tilespmem:$0x1F900] =	vst v63  }
0x14c: {  	s10 =	simm.s32 $0xB900  }
0x14d: {  	[tilespmem:s10], [sflag:$0x2] =	stream.indirect_vreg.gather [hbm4b:s6+s3], $0x80, v3, vm0, $0xb8;
	[tilespmem:$0x1F900] =	vst v63  }
0x14e: {  	v3 =	vld [tilespmem:s0+$0xFFFFFFA0];
	_ =	sdelay $0x4  }
0x14f: {  	v56 =	vshrl.u32 v3, $0x3  }
0x150: {  	v4 =	vmul.u32 $0x30, v56  }
0x151: {  	v3 =	vand.u32 $0x7, v3  }
0x152: {  	v3 =	vor.u32 v3, v4  }
0x153: {  	v4 =	vperm.xlane v3, v0;
	_ =	sdelay $0x1  }
0x154: {  	v4 =	vadd.s32 v1, v4;
	_ =	sdelay $0x3  }
0x155: {  	s10 =	simm.s32 $0xC100;
	v3 =	vperm.xlane v3, v2  }
0x156: {  	[tilespmem:s10], [sflag:$0x2] =	stream.indirect_vreg.gather [hbm4b:s2+s3], $0x80, v4, vm0, $0xb8;
	[tilespmem:$0x1F900] =	vst v63  }
0x157: {  	v3 =	vadd.s32 v1, v3;
	s10 =	simm.s32 $0xC900  }
0x158: {  	[tilespmem:s10], [sflag:$0x2] =	stream.indirect_vreg.gather [hbm4b:s5+s3], $0x80, v4, vm0, $0xb8;
	[tilespmem:$0x1F900] =	vst v63  }
0x159: {  	s10 =	simm.s32 $0xD100  }
0x15a: {  	[tilespmem:s10], [sflag:$0x2] =	stream.indirect_vreg.gather [hbm4b:s6+s3], $0x80, v4, vm0, $0xb8;
	[tilespmem:$0x1F900] =	vst v63  }
0x15b: {  	s10 =	simm.s32 $0xD900  }
0x15c: {  	[tilespmem:s10], [sflag:$0x2] =	stream.indirect_vreg.gather [hbm4b:s2+s3], $0x80, v3, vm0, $0xb8;
	[tilespmem:$0x1F900] =	vst v63  }
0x15d: {  	s10 =	simm.s32 $0xE100  }
0x15e: {  	[tilespmem:s10], [sflag:$0x2] =	stream.indirect_vreg.gather [hbm4b:s5+s3], $0x80, v3, vm0, $0xb8;
	[tilespmem:$0x1F900] =	vst v63  }
0x15f: {  	s10 =	simm.s32 $0xE900  }
0x160: {  	[tilespmem:s10], [sflag:$0x2] =	stream.indirect_vreg.gather [hbm4b:s6+s3], $0x80, v3, vm0, $0xb8;
	[tilespmem:$0x1F900] =	vst v63  }
0x161: {  	v3 =	vld.msk [tilespmem:s0+$0xFFFFFFB0], $0xff;
	_ =	sdelay $0x4  }
0x162: {  	v57 =	vshrl.u32 v3, $0x3  }
0x163: {  	v4 =	vmul.u32 $0x30, v57  }
0x164: {  	v3 =	vand.u32 $0x7, v3  }
0x165: {  	v3 =	vor.u32 v3, v4  }
0x166: {  	v3 =	vperm.xlane v3, v0;
	_ =	sdelay $0x1  }
0x167: {  	v3 =	vadd.s32 v1, v3;
	_ =	sdelay $0x3  }
0x168: {  	s10 =	simm.s32 $0xF100  }
0x169: {  	[tilespmem:s10], [sflag:$0x2] =	stream.indirect_vreg.gather [hbm4b:s2+s3], $0x80, v3, vm0, $0xb8;
	[tilespmem:$0x1F900] =	vst v63  }
0x16a: {  	s10 =	simm.s32 $0xF900  }
0x16b: {  	[tilespmem:s10], [sflag:$0x2] =	stream.indirect_vreg.gather [hbm4b:s5+s3], $0x80, v3, vm0, $0xb8;
	[tilespmem:$0x1F900] =	vst v63  }
0x16c: {  	s10 =	simm.s32 $0x10100  }
0x16d: {  	[tilespmem:s10], [sflag:$0x2] =	stream.indirect_vreg.gather [hbm4b:s6+s3], $0x80, v3, vm0, $0xb8;
	[tilespmem:$0x1F900] =	vst v63  }
0x16e: {  	_ =	swait.ge [sflag:s31], $0x7800  }
0x16f: {  	[sflag:s31] =	ssyncset.done $0x0  }
0x170: {  	[sflag:s31] =	ssyncadd.s32 $0xFFFF8800  }
0x171: {  	v3 =	vld [tilespmem:s0+$0xFFFFFFB8];
	_ =	sdelay $0x4  }
0x172: {  	v58 =	vshrl.u32 v3, $0x3  }
0x173: {  	v4 =	vmul.u32 $0x30, v58  }
0x174: {  	v3 =	vand.u32 $0x7, v3  }
0x175: {  	v3 =	vor.u32 v3, v4  }
0x176: {  	v4 =	vperm.xlane v3, v0;
	_ =	sdelay $0x1  }
0x177: {  	v4 =	vadd.s32 v1, v4;
	_ =	sdelay $0x3  }
0x178: {  	v3 =	vperm.xlane v3, v2  }
0x179: {  	[tilespmem:s15], [sflag:$0x3] =	stream.indirect_vreg.gather [hbm4b:s2+s3], $0x80, v4, vm0, $0xb8;
	[tilespmem:$0x1F900] =	vst v63  }
0x17a: {  	v3 =	vadd.s32 v1, v3;
	s15 =	simm.s32 $0x11100  }
0x17b: {  	[tilespmem:s15], [sflag:$0x3] =	stream.indirect_vreg.gather [hbm4b:s5+s3], $0x80, v4, vm0, $0xb8;
	[tilespmem:$0x1F900] =	vst v63  }
0x17c: {  	s15 =	simm.s32 $0x11900  }
0x17d: {  	[tilespmem:s15], [sflag:$0x3] =	stream.indirect_vreg.gather [hbm4b:s6+s3], $0x80, v4, vm0, $0xb8;
	[tilespmem:$0x1F900] =	vst v63  }
0x17e: {  	s15 =	simm.s32 $0x12100  }
0x17f: {  	[tilespmem:s15], [sflag:$0x3] =	stream.indirect_vreg.gather [hbm4b:s2+s3], $0x80, v3, vm0, $0xb8;
	[tilespmem:$0x1F900] =	vst v63  }
0x180: {  	s15 =	simm.s32 $0x12900  }
0x181: {  	[tilespmem:s15], [sflag:$0x3] =	stream.indirect_vreg.gather [hbm4b:s5+s3], $0x80, v3, vm0, $0xb8;
	[tilespmem:$0x1F900] =	vst v63  }
0x182: {  	s15 =	simm.s32 $0x13100  }
0x183: {  	[tilespmem:s15], [sflag:$0x3] =	stream.indirect_vreg.gather [hbm4b:s6+s3], $0x80, v3, vm0, $0xb8;
	[tilespmem:$0x1F900] =	vst v63  }
0x184: {  	v3 =	vld [tilespmem:s0+$0xFFFFFFC8];
	_ =	sdelay $0x4  }
0x185: {  	v59 =	vshrl.u32 v3, $0x3  }
0x186: {  	v4 =	vmul.u32 $0x30, v59  }
0x187: {  	v3 =	vand.u32 $0x7, v3  }
0x188: {  	v3 =	vor.u32 v3, v4  }
0x189: {  	v4 =	vperm.xlane v3, v0;
	_ =	sdelay $0x1  }
0x18a: {  	v4 =	vadd.s32 v1, v4;
	_ =	sdelay $0x3  }
0x18b: {  	s15 =	simm.s32 $0x13900;
	v3 =	vperm.xlane v3, v2  }
0x18c: {  	[tilespmem:s15], [sflag:$0x3] =	stream.indirect_vreg.gather [hbm4b:s2+s3], $0x80, v4, vm0, $0xb8;
	[tilespmem:$0x1F900] =	vst v63  }
0x18d: {  	v3 =	vadd.s32 v1, v3;
	s15 =	simm.s32 $0x14100  }
0x18e: {  	[tilespmem:s15], [sflag:$0x3] =	stream.indirect_vreg.gather [hbm4b:s5+s3], $0x80, v4, vm0, $0xb8;
	[tilespmem:$0x1F900] =	vst v63  }
0x18f: {  	s15 =	simm.s32 $0x14900  }
0x190: {  	[tilespmem:s15], [sflag:$0x3] =	stream.indirect_vreg.gather [hbm4b:s6+s3], $0x80, v4, vm0, $0xb8;
	[tilespmem:$0x1F900] =	vst v63  }
0x191: {  	s15 =	simm.s32 $0x15100  }
0x192: {  	[tilespmem:s15], [sflag:$0x3] =	stream.indirect_vreg.gather [hbm4b:s2+s3], $0x80, v3, vm0, $0xb8;
	[tilespmem:$0x1F900] =	vst v63  }
0x193: {  	s15 =	simm.s32 $0x15900  }
0x194: {  	[tilespmem:s15], [sflag:$0x3] =	stream.indirect_vreg.gather [hbm4b:s5+s3], $0x80, v3, vm0, $0xb8;
	[tilespmem:$0x1F900] =	vst v63  }
0x195: {  	s15 =	simm.s32 $0x16100  }
0x196: {  	[tilespmem:s15], [sflag:$0x3] =	stream.indirect_vreg.gather [hbm4b:s6+s3], $0x80, v3, vm0, $0xb8;
	[tilespmem:$0x1F900] =	vst v63  }
0x197: {  	v3 =	vld.msk [tilespmem:s0+$0xFFFFFFD8], $0xff;
	_ =	sdelay $0x4  }
0x198: {  	v60 =	vshrl.u32 v3, $0x3  }
0x199: {  	v4 =	vmul.u32 $0x30, v60  }
0x19a: {  	v3 =	vand.u32 $0x7, v3  }
0x19b: {  	v3 =	vor.u32 v3, v4  }
0x19c: {  	v3 =	vperm.xlane v3, v0;
	_ =	sdelay $0x1  }
0x19d: {  	v3 =	vadd.s32 v1, v3;
	_ =	sdelay $0x3  }
0x19e: {  	s15 =	simm.s32 $0x16900  }
0x19f: {  	[tilespmem:s15], [sflag:$0x3] =	stream.indirect_vreg.gather [hbm4b:s2+s3], $0x80, v3, vm0, $0xb8;
	[tilespmem:$0x1F900] =	vst v63  }
0x1a0: {  	s15 =	simm.s32 $0x17100  }
0x1a1: {  	[tilespmem:s15], [sflag:$0x3] =	stream.indirect_vreg.gather [hbm4b:s5+s3], $0x80, v3, vm0, $0xb8;
	[tilespmem:$0x1F900] =	vst v63  }
0x1a2: {  	s15 =	simm.s32 $0x17900  }
0x1a3: {  	[tilespmem:s15], [sflag:$0x3] =	stream.indirect_vreg.gather [hbm4b:s6+s3], $0x80, v3, vm0, $0xb8;
	[tilespmem:$0x1F900] =	vst v63  }
0x1a4: {  	_ =	swait.ge [sflag:s1], $0x7800  }
0x1a5: {  	[sflag:s1] =	ssyncset.done $0x0  }
0x1a6: {  	[sflag:s1] =	ssyncadd.s32 $0xFFFF8800  }
0x1a7: {  	v3 =	vld [tilespmem:s0+$0xFFFFFFE0];
	_ =	sdelay $0x4  }
0x1a8: {  	v61 =	vshrl.u32 v3, $0x3  }
0x1a9: {  	v4 =	vmul.u32 $0x30, v61  }
0x1aa: {  	v3 =	vand.u32 $0x7, v3  }
0x1ab: {  	v3 =	vor.u32 v3, v4  }
0x1ac: {  	v4 =	vperm.xlane v3, v0;
	_ =	sdelay $0x1  }
0x1ad: {  	v4 =	vadd.s32 v1, v4;
	_ =	sdelay $0x3  }
0x1ae: {  	v3 =	vperm.xlane v3, v2  }
0x1af: {  	[tilespmem:s4], [sflag:$0x4] =	stream.indirect_vreg.gather [hbm4b:s2+s3], $0x80, v4, vm0, $0xb8;
	[tilespmem:$0x1F900] =	vst v63  }
0x1b0: {  	s15 =	simm.s32 $0x18900;
	v3 =	vadd.s32 v1, v3  }
0x1b1: {  	[tilespmem:s15], [sflag:$0x4] =	stream.indirect_vreg.gather [hbm4b:s5+s3], $0x80, v4, vm0, $0xb8;
	[tilespmem:$0x1F900] =	vst v63  }
0x1b2: {  	s15 =	simm.s32 $0x19100  }
0x1b3: {  	[tilespmem:s15], [sflag:$0x4] =	stream.indirect_vreg.gather [hbm4b:s6+s3], $0x80, v4, vm0, $0xb8;
	[tilespmem:$0x1F900] =	vst v63  }
0x1b4: {  	s15 =	simm.s32 $0x19900  }
0x1b5: {  	[tilespmem:s15], [sflag:$0x4] =	stream.indirect_vreg.gather [hbm4b:s2+s3], $0x80, v3, vm0, $0xb8;
	[tilespmem:$0x1F900] =	vst v63  }
0x1b6: {  	s15 =	simm.s32 $0x1A100  }
0x1b7: {  	[tilespmem:s15], [sflag:$0x4] =	stream.indirect_vreg.gather [hbm4b:s5+s3], $0x80, v3, vm0, $0xb8;
	[tilespmem:$0x1F900] =	vst v63  }
0x1b8: {  	s15 =	simm.s32 $0x1A900  }
0x1b9: {  	[tilespmem:s15], [sflag:$0x4] =	stream.indirect_vreg.gather [hbm4b:s6+s3], $0x80, v3, vm0, $0xb8;
	[tilespmem:$0x1F900] =	vst v63  }
0x1ba: {  	v3 =	vld [tilespmem:s0+$0xFFFFFFF0];
	_ =	sdelay $0x4  }
0x1bb: {  	v62 =	vshrl.u32 v3, $0x3  }
0x1bc: {  	v4 =	vmul.u32 $0x30, v62  }
0x1bd: {  	v3 =	vand.u32 $0x7, v3  }
0x1be: {  	v3 =	vor.u32 v3, v4  }
0x1bf: {  	v4 =	vperm.xlane v3, v0;
	_ =	sdelay $0x1  }
0x1c0: {  	v4 =	vadd.s32 v1, v4;
	_ =	sdelay $0x3  }
0x1c1: {  	s15 =	simm.s32 $0x1B100;
	v3 =	vperm.xlane v3, v2  }
0x1c2: {  	[tilespmem:s15], [sflag:$0x4] =	stream.indirect_vreg.gather [hbm4b:s2+s3], $0x80, v4, vm0, $0xb8;
	[tilespmem:$0x1F900] =	vst v63  }
0x1c3: {  	v3 =	vadd.s32 v1, v3;
	s15 =	simm.s32 $0x1B900  }
0x1c4: {  	[tilespmem:s15], [sflag:$0x4] =	stream.indirect_vreg.gather [hbm4b:s5+s3], $0x80, v4, vm0, $0xb8;
	[tilespmem:$0x1F900] =	vst v63  }
0x1c5: {  	s15 =	simm.s32 $0x1C100  }
0x1c6: {  	[tilespmem:s15], [sflag:$0x4] =	stream.indirect_vreg.gather [hbm4b:s6+s3], $0x80, v4, vm0, $0xb8;
	[tilespmem:$0x1F900] =	vst v63  }
0x1c7: {  	s15 =	simm.s32 $0x1C900  }
0x1c8: {  	[tilespmem:s15], [sflag:$0x4] =	stream.indirect_vreg.gather [hbm4b:s2+s3], $0x80, v3, vm0, $0xb8;
	[tilespmem:$0x1F900] =	vst v63  }
0x1c9: {  	s15 =	simm.s32 $0x1D100  }
0x1ca: {  	[tilespmem:s15], [sflag:$0x4] =	stream.indirect_vreg.gather [hbm4b:s5+s3], $0x80, v3, vm0, $0xb8;
	[tilespmem:$0x1F900] =	vst v63  }
0x1cb: {  	s15 =	simm.s32 $0x1D900  }
0x1cc: {  	[tilespmem:s15], [sflag:$0x4] =	stream.indirect_vreg.gather [hbm4b:s6+s3], $0x80, v3, vm0, $0xb8;
	[tilespmem:$0x1F900] =	vst v63  }
0x1cd: {  	v3 =	vld.msk [tilespmem:s0+$0x0], $0xff;
	_ =	sdelay $0x4  }
0x1ce: {  	v63 =	vshrl.u32 v3, $0x3  }
0x1cf: {  	v4 =	vmul.u32 $0x30, v63  }
0x1d0: {  	v3 =	vand.u32 $0x7, v3  }
0x1d1: {  	v3 =	vor.u32 v3, v4  }
0x1d2: {  	v3 =	vperm.xlane v3, v0;
	_ =	sdelay $0x1  }
0x1d3: {  	v3 =	vadd.s32 v1, v3;
	_ =	sdelay $0x3  }
0x1d4: {  	p0 =	sne.s32 s7, $0x8E800  }
0x1d5: {  	[tilespmem:s18], [sflag:$0x4] =	stream.indirect_vreg.gather [hbm4b:s2+s3], $0x80, v3, vm0, $0xb8;
	[tilespmem:$0x1F900] =	vst v63  }
.Ltmp0:
0x1d6: {  	_ = 	snop;
	(pc) =	sbr.rel @p0 .LBB2_2-.Ltmp0, $4  }
0x1d7: {  	s29 =	simm.s32 $0x1900;
	s7 =	sadd.s32 $0x3C00, s7  }
0x1d8: {  	[tilespmem:s20], [sflag:$0x4] =	stream.indirect_vreg.gather [hbm4b:s5+s3], $0x80, v3, vm0, $0xb8;
	[tilespmem:$0x1F900] =	vst v63  }
0x1d9: {  	s17 =	simm.s32 $0x9100;
	s10 =	simm.s32 $0x10900;
	s0 =	sadd.s32 $0xA0, s0  }
0x1da: {  	[tilespmem:s22], [sflag:$0x4] =	stream.indirect_vreg.gather [hbm4b:s6+s3], $0x80, v3, vm0, $0xb8;
	[tilespmem:$0x1F900] =	vst v63  }
0x1db: {  	_ =	swait.ge [sflag:s23], $0x7800  }
0x1dc: {  	[sflag:s23] =	ssyncset.done $0x0  }
0x1dd: {  	s0 =	rddreg [dreg:$0x9];
	[sflag:s23] =	ssyncadd.s32 $0xFFFF8800  }
0x1de: {  	[hbm4b:s0+s3] =	stream.linear.scatter [tilespmem:s29], [sflag:$0x5], $0x7800, $0x38;
	[tilespmem:$0x1F900] =	vst v63  }
0x1df: {  	_ =	swait.ge [sflag:s24], $0x7800  }
0x1e0: {  	[sflag:s24] =	ssyncset.done $0x0  }
0x1e1: {  	s19 =	rddreg [dreg:$0xa];
	[sflag:s24] =	ssyncadd.s32 $0xFFFF8800  }
0x1e2: {  	[hbm4b:s19+s3] =	stream.linear.scatter [tilespmem:s17], [sflag:$0x6], $0x7800, $0x38;
	[tilespmem:$0x1F900] =	vst v63  }
0x1e3: {  	_ =	swait.ge [sflag:s25], $0x7800  }
0x1e4: {  	[sflag:s25] =	ssyncset.done $0x0  }
0x1e5: {  	s20 =	rddreg [dreg:$0xb];
	[sflag:s25] =	ssyncadd.s32 $0xFFFF8800  }
0x1e6: {  	[hbm4b:s20+s3] =	stream.linear.scatter [tilespmem:s10], [sflag:$0x7], $0x7800, $0x38;
	[tilespmem:$0x1F900] =	vst v63  }
0x1e7: {  	_ =	swait.ge [sflag:s26], $0x7800  }
0x1e8: {  	[sflag:s26] =	ssyncset.done $0x0  }
0x1e9: {  	s21 =	rddreg [dreg:$0xc];
	[sflag:s26] =	ssyncadd.s32 $0xFFFF8800  }
0x1ea: {  	[hbm4b:s21+s3] =	stream.linear.scatter [tilespmem:s4], [sflag:$0x8], $0x7800, $0x38;
	[tilespmem:$0x1F900] =	vst v63  }
0x1eb: {  	_ =	swait.ge [sflag:s28], $0x7800  }
0x1ec: {  	[sflag:s28] =	ssyncset.done $0x0  }
0x1ed: {  	[sflag:s28] =	ssyncadd.s32 $0xFFFF8800  }
0x1ee: {  	_ =	swait.ge [sflag:s30], $0x7800  }
0x1ef: {  	[sflag:s30] =	ssyncset.done $0x0  }
0x1f0: {  	[sflag:s30] =	ssyncadd.s32 $0xFFFF8800  }
0x1f1: {  	_ =	swait.ge [sflag:s31], $0x7800  }
0x1f2: {  	[sflag:s31] =	ssyncset.done $0x0  }
0x1f3: {  	[sflag:s31] =	ssyncadd.s32 $0xFFFF8800  }
0x1f4: {  	_ =	swait.ge [sflag:s1], $0x7800  }
0x1f5: {  	s7 =	rddreg [dreg:$0xe]  }
0x1f6: {  	s22 =	rddreg [dreg:$0xd];
	s7 =	sadd.s32 $0x1, s7  }
0x1f7: {  	s9 =	simm.s32 $0x3100;
	s11 =	simm.s32 $0x4100;
	p0 =	sne.s32 s7, s22  }
.Ltmp1:
0x1f8: {  	s12 =	simm.s32 $0x4900;
	s14 =	simm.s32 $0x5100;
	(pc) =	sbr.rel @p0 .LBB2_1-.Ltmp1, $4  }
0x1f9: {  	s15 =	simm.s32 $0x5900;
	s16 =	simm.s32 $0x6100;
	s18 =	simm.s32 $0x6900  }
0x1fa: {  	s13 =	simm.s32 $0x8900;
	s19 =	simm.s32 $0x7100;
	[sflag:s1] =	ssyncset.done $0x0  }
0x1fb: {  	s20 =	simm.s32 $0x7900;
	s21 =	simm.s32 $0x8100;
	[sflag:s1] =	ssyncadd.s32 $0xFFFF8800  }
0x1fc: {  	[dreg:$0xe] =	wrdreg s7;
	s7 =	simm.s32 $0x2900;
	s22 =	simm.s32 $0x3900  }
0x1fd: {  	_ =	sfence.sel $0x180000  }
0x1fe: {  	[bflag:$0x0] =	sbarrier.arrive $0xFFFF  }
0x1ff: {  	_ =	strace $0x90000047  }
0x200: {  	s0 =	stileid.u32;
	[bflag:$0x2] =	sbarrier.arrive $0xFFFF  }
0x201: {  	p0 =	sne.s32 s0, $0x0;
	s0 =	rddreg [dreg:$0x3]  }
0x202: {  	s0 =	sadd.s32 @!p0 $0x100000, s0  }
0x203: {  	[sflag:s0] =	ssyncadd.tile.s32 @!p0 $0x1;
	_ =	shalt  }
.Lfunc_end2:
_tile_overlayer_lowered:
.L_overlay_start_2:
0x204: {  	(tag) =	ssettag $0x2  }
0x205: {  	s0 =	rddreg [dreg:$0x0];
	s2 =	stileid.u32  }
0x206: {  	s1 =	rddreg [dreg:$0x1];
	p0 =	sne.s32 s2, $0x0  }
0x207: {  	s3 =	rddreg [dreg:$0x2];
	[bflag:$0x3] =	sbarrier.arrive $0xFFFF;
	s2 =	simm.s32 @!p0 $0x1C09  }
0x208: {  	[timem:s3], [sflag:s2] =	dma.local @!p0 [hbm:s0], s1  }
0x209: {  	s0 =	simm.s32 @!p0 $0x9  }
0x20a: {  	_ =	swait.ge @!p0 [sflag:s0], s1  }
0x20b: {  	s1 =	ssub.s32 @!p0 $0x0, s1;
	[sflag:s0] =	ssyncset.done @!p0 $0x0  }
0x20c: {  	[sflag:s0] =	ssyncadd.s32 @!p0 s1  }
0x20d: {  	[bflag:$0x3] =	sbarrier.arrive $0xFFFF  }
0x20e: {  	_ =	shalt  }

</sc_bundles>
